<compile_context>
chip_gen: v7x
topology: tpu7x:2x2x1
jax: 0.10.2.dev20260603
libtpu: 0.0.44.dev20260713+nightly
codegen_flags: <defaults>
</compile_context>

<pallas_src>
import functools

import jax
import jax.numpy as jnp
from jax import lax
from jax.experimental import pallas as pl
from jax.experimental.pallas import tpu as pltpu
from jax.experimental.pallas import tpu_sc as plsc

_NN_K = 5
_FILTER_SCALE = 2.0
_SIGMA = 0.75
_EPS = 1e-10
_B, _P, _D = 4, 4096, 3
_BR = 512
_NB = _P // _BR

_NTILES = 32
_PPT = _B * _P // _NTILES
_TPB = _P // _PPT
_LANES = 16


def _knn_tc_body(rows_ref, cols_ref, nrows_ref, d_ref, i_ref, nh_ref):
    rows = rows_ref[0]
    xr, yr, zr = rows[:, 0:1], rows[:, 1:2], rows[:, 2:3]
    cols = cols_ref[0]
    xc, yc, zc = cols[0:1, :], cols[1:2, :], cols[2:3, :]
    sq_r = xr * xr + yr * yr + zr * zr
    sq_c = xc * xc + yc * yc + zc * zc
    pq = jax.lax.dot_general(
        rows.astype(jnp.bfloat16), cols.astype(jnp.bfloat16),
        (((1,), (0,)), ((), ())),
        preferred_element_type=jnp.float32)
    d2 = jnp.maximum(sq_r + sq_c - 2.0 * pq, 0.0)

    half = _P // 2
    a = d2[:, :half]
    b = d2[:, half:]
    ia = lax.broadcasted_iota(jnp.int32, (_BR, half), 1).astype(jnp.float32)
    ib = ia + jnp.float32(half)
    amask = a <= b
    work = jnp.minimum(a, b)
    cur = jnp.where(amask, ia, ib)
    lval = jnp.maximum(a, b)
    lidx = jnp.where(amask, ib, ia)
    big = jnp.float32(2.0 * _P)
    inf = jnp.float32(jnp.inf)
    for k in range(_NN_K + 1):
        m = jnp.min(work, axis=1, keepdims=True)
        idxf = jnp.min(jnp.where(work <= m, cur, big), axis=1,
                       keepdims=True)
        if k >= 1:
            d_ref[0, :, k - 1:k] = m
            i_ref[0, :, k - 1:k] = idxf.astype(jnp.int32)
        if k < _NN_K:
            e = cur == idxf
            work = jnp.where(e, lval, work)
            cur = jnp.where(e, lidx, cur)
            lval = jnp.where(e, inf, lval)

    nr = nrows_ref[0]
    nrm = jnp.sqrt(jnp.sum(nr * nr, axis=1, keepdims=True))
    nh_ref[0] = nr * (1.0 / jnp.where(nrm < _EPS, _EPS, nrm))


def _knn_tc(points, points_t, normals):
    return pl.pallas_call(
        _knn_tc_body,
        grid=(_B, _NB),
        in_specs=[
            pl.BlockSpec((1, _BR, _D), lambda b, rb: (b, rb, 0)),
            pl.BlockSpec((1, _D, _P), lambda b, rb: (b, 0, 0)),
            pl.BlockSpec((1, _BR, _D), lambda b, rb: (b, rb, 0)),
        ],
        out_specs=[
            pl.BlockSpec((1, _BR, _NN_K), lambda b, rb: (b, rb, 0)),
            pl.BlockSpec((1, _BR, _NN_K), lambda b, rb: (b, rb, 0)),
            pl.BlockSpec((1, _BR, _D), lambda b, rb: (b, rb, 0)),
        ],
        out_shape=[
            jax.ShapeDtypeStruct((_B, _P, _NN_K), jnp.float32),
            jax.ShapeDtypeStruct((_B, _P, _NN_K), jnp.int32),
            jax.ShapeDtypeStruct((_B, _P, _D), jnp.float32),
        ],
    )(points, points_t, normals)


_N = _B * _P


def _weights_sc_body(d_hbm, i_hbm, nh_hbm, p_hbm, out_hbm, *scratch):
    ntabs = scratch[0:3]
    ptabs = scratch[3:6]
    owns = scratch[6:9]
    ownp = scratch[9:12]
    dks = scratch[12:17]
    iks = scratch[17:22]
    out_v = scratch[22]

    wid = lax.axis_index("s") * 2 + lax.axis_index("c")
    base = wid * _PPT
    b_off = (wid // _TPB) * _P

    for r in range(_D):
        pltpu.sync_copy(nh_hbm.at[pl.ds(r * _N + b_off, _P)], ntabs[r])
        pltpu.sync_copy(nh_hbm.at[pl.ds(r * _N + base, _PPT)], owns[r])
        pltpu.sync_copy(p_hbm.at[pl.ds(r * _N + b_off, _P)], ptabs[r])
        pltpu.sync_copy(p_hbm.at[pl.ds(r * _N + base, _PPT)], ownp[r])
    for k in range(_NN_K):
        pltpu.sync_copy(d_hbm.at[pl.ds(k * _N + base, _PPT)], dks[k])
        pltpu.sync_copy(i_hbm.at[pl.ds(k * _N + base, _PPT)], iks[k])

    inv_sig_n = 1.0 / (_SIGMA * _SIGMA)

    def chunk(i, carry):
        sl = pl.ds(i * _LANES, _LANES)
        ox, oy, oz = owns[0][sl], owns[1][sl], owns[2][sl]
        px, py, pz = ownp[0][sl], ownp[1][sl], ownp[2][sl]
        d1 = dks[0][sl]
        s = d1 * (2.0 * _FILTER_SCALE * _FILTER_SCALE)
        s = jnp.where(s < _EPS, jnp.float32(_EPS), s)
        inv_sp = 1.0 / jnp.where(d1 < _EPS, jnp.float32(_EPS), d1)
        acc = jnp.zeros((_LANES,), jnp.float32)
        for k in range(_NN_K):
            dk = dks[k][sl]
            idx = iks[k][sl]
            gx = plsc.load_gather(ntabs[0], [idx])
            gy = plsc.load_gather(ntabs[1], [idx])
            gz = plsc.load_gather(ntabs[2], [idx])
            qx = plsc.load_gather(ptabs[0], [idx])
            qy = plsc.load_gather(ptabs[1], [idx])
            qz = plsc.load_gather(ptabs[2], [idx])
            w = jnp.maximum(1.0 - dk / s, 0.0)
            w = w * w
            w = w * w
            dx, dy, dz = gx - ox, gy - oy, gz - oz
            dn2 = dx * dx + dy * dy + dz * dz
            wn = jnp.exp(-dn2 * inv_sig_n)
            ux, uy, uz = qx - px, qy - py, qz - pz
            dp2 = ux * ux + uy * uy + uz * uz
            ws = jnp.exp(-dp2 * inv_sp)
            acc = acc + w * wn * ws * dk
        out_v[sl] = acc
        return carry

    lax.fori_loop(0, _PPT // _LANES, chunk, 0)
    pltpu.sync_copy(out_v, out_hbm.at[pl.ds(base, _PPT)])


def _weights_sc(d5, i5, nh, pf):
    mesh = plsc.VectorSubcoreMesh(core_axis_name="c", subcore_axis_name="s")
    f = pl.kernel(
        _weights_sc_body,
        out_type=jax.ShapeDtypeStruct((_N,), jnp.float32),
        mesh=mesh,
        compiler_params=pltpu.CompilerParams(needs_layout_passes=False),
        scratch_types=(
            [pltpu.VMEM((_P,), jnp.float32)] * 6
            + [pltpu.VMEM((_PPT,), jnp.float32)] * 6
            + [pltpu.VMEM((_PPT,), jnp.float32)] * _NN_K
            + [pltpu.VMEM((_PPT,), jnp.int32)] * _NN_K
            + [pltpu.VMEM((_PPT,), jnp.float32)]
        ),
    )
    return f(d5, i5, nh, pf)


def kernel(points, normals):
    points_t = jnp.transpose(points, (0, 2, 1))
    d5, i5, nh = _knn_tc(points, points_t, normals)
    d5f = jnp.reshape(jnp.transpose(d5, (2, 0, 1)), (_NN_K * _N,))
    i5f = jnp.reshape(jnp.transpose(i5, (2, 0, 1)), (_NN_K * _N,))
    nhf = jnp.reshape(jnp.transpose(nh, (2, 0, 1)), (_D * _N,))
    pf = jnp.reshape(jnp.transpose(points, (2, 0, 1)), (_D * _N,))
    per_point = _weights_sc(d5f, i5f, nhf, pf)
    return jnp.mean(per_point)

# --- scband reference (transcript-rebuilt; emitter-appended) ---
"""Pipeline reference for scband-regularization-loss-34162169872832 (READ-ONLY COPY).

The authoritative reference and input builder live on the scoring server;
editing this copy changes nothing except your own understanding.
"""

import jax, jax.numpy as jnp
import numpy as np

NN_K = 5
FILTER_SCALE = 2.0
SHARPNESS_SIGMA = 0.75
EPS = 1e-10


def setup_inputs(seed: int = 0) -> dict:
    key = jax.random.key(seed)
    k1, k2 = jax.random.split(key)
    points = jax.random.normal(k1, (4, 4096, 3), dtype=jnp.float32)
    normals = jax.random.normal(k2, (4, 4096, 3), dtype=jnp.float32)
    return {"points": points, "normals": normals}


def _eps_denom(x):
    return jnp.where(x < EPS, EPS, x)


def _knn(points, K):
    # brute-force knn_points: squared euclidean distances
    sq = jnp.sum(points * points, axis=-1)
    d2 = sq[:, :, None] + sq[:, None, :] - 2.0 * jnp.einsum('bpd,bqd->bpq', points, points)
    d2 = jnp.maximum(d2, 0.0)
    neg_vals, idxs = jax.lax.top_k(-d2, K + 1)
    dists = -neg_vals
    # drop self-neighbor (first column), mirroring nn_tree = _NN(dists[:,:,1:], idxs[:,:,1:], nn[:,:,1:,:])
    return dists[:, :, 1:], idxs[:, :, 1:]


def _forward(points, normals):
    dists, idxs = _knn(points, NN_K)
    gather = jax.vmap(lambda t, i: t[i])  # knn_gather: [B,P,D],[B,P,K] -> [B,P,K,D]
    nn = gather(points, idxs)
    nn_normals = gather(normals, idxs)

    # get_phi: (1 - d/ (2*d0*fs^2))^4
    point_spacing_sq = dists[:, :, :1] * 2.0
    s = point_spacing_sq * FILTER_SCALE * FILTER_SCALE
    w_phi = 1.0 - dists / _eps_denom(s)
    w_phi = jnp.where(w_phi < 0.0, 0.0, w_phi)
    w_phi = w_phi * w_phi
    w_phi = w_phi * w_phi

    # get_normal_w: exp(-||n - ni||^2 / sigma^2)
    inv_sigma_normal = 1.0 / (SHARPNESS_SIGMA * SHARPNESS_SIGMA)
    n = normals / _eps_denom(jnp.linalg.norm(normals, axis=-1, keepdims=True))
    nn_n = nn_normals / _eps_denom(jnp.linalg.norm(nn_normals, axis=-1, keepdims=True))
    dn = nn_n - n[:, :, None, :]
    w_normal = jnp.exp(-jnp.sum(dn * dn, axis=-1) * inv_sigma_normal)

    # get_spatial_w_repel: exp(-||p - pi||^2 / (sigma*h)^2)
    psq = dists[:, :, :1] * 4.0
    inv_sigma_spatial = 1.0 / _eps_denom(psq * 0.25)
    dp = nn - points[:, :, None, :]
    w_spatial = jnp.exp(-jnp.sum(dp * dp, axis=-1) * inv_sigma_spatial)

    w = w_phi * w_normal * w_spatial
    result = jnp.sum(w * dists, axis=-1)  # per-point regularization term
    return jnp.mean(result)  # reduction='mean', channel_dim=None


def reference(points, normals):
    return _forward(points, normals)

if __name__ == "__main__":
    import jax
    _d = setup_inputs()
    print(jax.jit(kernel)(*tuple(_d.values())))

</pallas_src>

<mosaic_0001>
#map = affine_map<(d0, d1) -> (0)>
module attributes {stable_mosaic.version = 14 : i64} {
  func.func @_weights_sc_body(%arg0: i32, %arg1: i32, %arg2: memref<81920xf32, #tpu.memory_space<hbm>>, %arg3: memref<81920xi32, #tpu.memory_space<hbm>>, %arg4: memref<49152xf32, #tpu.memory_space<hbm>>, %arg5: memref<49152xf32, #tpu.memory_space<hbm>>, %arg6: memref<16384xf32, #tpu.memory_space<hbm>>, %arg7: memref<4096xf32, #tpu.memory_space<vmem>>, %arg8: memref<4096xf32, #tpu.memory_space<vmem>>, %arg9: memref<4096xf32, #tpu.memory_space<vmem>>, %arg10: memref<4096xf32, #tpu.memory_space<vmem>>, %arg11: memref<4096xf32, #tpu.memory_space<vmem>>, %arg12: memref<4096xf32, #tpu.memory_space<vmem>>, %arg13: memref<512xf32, #tpu.memory_space<vmem>>, %arg14: memref<512xf32, #tpu.memory_space<vmem>>, %arg15: memref<512xf32, #tpu.memory_space<vmem>>, %arg16: memref<512xf32, #tpu.memory_space<vmem>>, %arg17: memref<512xf32, #tpu.memory_space<vmem>>, %arg18: memref<512xf32, #tpu.memory_space<vmem>>, %arg19: memref<512xf32, #tpu.memory_space<vmem>>, %arg20: memref<512xf32, #tpu.memory_space<vmem>>, %arg21: memref<512xf32, #tpu.memory_space<vmem>>, %arg22: memref<512xf32, #tpu.memory_space<vmem>>, %arg23: memref<512xf32, #tpu.memory_space<vmem>>, %arg24: memref<512xi32, #tpu.memory_space<vmem>>, %arg25: memref<512xi32, #tpu.memory_space<vmem>>, %arg26: memref<512xi32, #tpu.memory_space<vmem>>, %arg27: memref<512xi32, #tpu.memory_space<vmem>>, %arg28: memref<512xi32, #tpu.memory_space<vmem>>, %arg29: memref<512xf32, #tpu.memory_space<vmem>>) attributes {dimension_semantics = [#tpu.dimension_semantics<core_parallel>, #tpu.dimension_semantics<subcore_parallel>], iteration_bounds = array<i64: 2, 16>, scalar_prefetch = 0 : i64, scratch_operands = 23 : i64, tpu.core_type = #tpu.core_type<sc_vector_subcore>, window_params = [{transform_indices = #map}, {transform_indices = #map}, {transform_indices = #map}, {transform_indices = #map}, {transform_indices = #map}]} {
    %mul3A = arith.constant 2 : i32
    %mul3A_0 = arith.muli %arg1, %mul3A : i32
    %add3A = arith.addi %mul3A_0, %arg0 : i32
    %mul3A_1 = arith.constant 512 : i32
    %mul3A_2 = arith.muli %add3A, %mul3A_1 : i32
    %jit3A = arith.constant 8 : i32
    %div3A = arith.divsi %add3A, %jit3A : i32
    %sign3A = arith.constant 0 : i32
    %sign3A_3 = arith.cmpi sgt, %add3A, %sign3A : i32
    %sign3A_4 = arith.extui %sign3A_3 : i1 to i32
    %sign3A_5 = arith.constant 0 : i32
    %sign3A_6 = arith.cmpi slt, %add3A, %sign3A_5 : i32
    %sign3A_7 = arith.extui %sign3A_6 : i1 to i32
    %sign3A_8 = arith.subi %sign3A_4, %sign3A_7 : i32
    %sign3A_9 = arith.constant 0 : i32
    %sign3A_10 = arith.cmpi sgt, %jit3A, %sign3A_9 : i32
    %sign3A_11 = arith.extui %sign3A_10 : i1 to i32
    %sign3A_12 = arith.constant 0 : i32
    %sign3A_13 = arith.cmpi slt, %jit3A, %sign3A_12 : i32
    %sign3A_14 = arith.extui %sign3A_13 : i1 to i32
    %sign3A_15 = arith.subi %sign3A_11, %sign3A_14 : i32
    %ne3A = arith.cmpi ne, %sign3A_8, %sign3A_15 : i32
    %rem3A = arith.remsi %add3A, %jit3A : i32
    %ne3A_16 = arith.constant 0 : i32
    %ne3A_17 = arith.cmpi ne, %rem3A, %ne3A_16 : i32
    %and3A = arith.andi %ne3A, %ne3A_17 : i1
    %sub3A = arith.constant 1 : i32
    %sub3A_18 = arith.subi %div3A, %sub3A : i32
    %select_n3A = arith.select %and3A, %sub3A_18, %div3A : i32
    %mul3A_19 = arith.constant 4096 : i32
    %mul3A_20 = arith.muli %select_n3A, %mul3A_19 : i32
    %add3A_21 = arith.constant 0 : i32
    %add3A_22 = arith.addi %add3A_21, %mul3A_20 : i32
    "tpu.region"() ({
      %run_scoped3A = tpu.sem_alloc : memref<!tpu.dma_semaphore, #tpu.memory_space<semaphore_mem>>
      %dma_start3A = tpu.memref_slice %arg4[%add3A_22] : memref<49152xf32, #tpu.memory_space<hbm>> -> memref<4096xf32, #tpu.memory_space<hbm>>
      %dma_start3A_70 = tpu.memref_slice %arg4[%add3A_22] : memref<49152xf32, #tpu.memory_space<hbm>> -> memref<4096xf32, #tpu.memory_space<hbm>>
      tpu.enqueue_dma source(%dma_start3A_70 : memref<4096xf32, #tpu.memory_space<hbm>>) target(%arg7 : memref<4096xf32, #tpu.memory_space<vmem>>) target_semaphore(%run_scoped3A : memref<!tpu.dma_semaphore, #tpu.memory_space<semaphore_mem>>)
      %dma_wait3A = tpu.memref_slice %arg4[%add3A_22] : memref<49152xf32, #tpu.memory_space<hbm>> -> memref<4096xf32, #tpu.memory_space<hbm>>
      %dma_wait3A_71 = tpu.memref_slice %arg4[%add3A_22] : memref<49152xf32, #tpu.memory_space<hbm>> -> memref<4096xf32, #tpu.memory_space<hbm>>
      tpu.wait_dma2 semaphore(%run_scoped3A : memref<!tpu.dma_semaphore, #tpu.memory_space<semaphore_mem>>) src(%dma_wait3A_71 : memref<4096xf32, #tpu.memory_space<hbm>>) dst(%arg7 : memref<4096xf32, #tpu.memory_space<vmem>>)
      tpu.yield
    }) : () -> ()
    %add3A_23 = arith.constant 0 : i32
    %add3A_24 = arith.addi %add3A_23, %mul3A_2 : i32
    "tpu.region"() ({
      %run_scoped3A = tpu.sem_alloc : memref<!tpu.dma_semaphore, #tpu.memory_space<semaphore_mem>>
      %dma_start3A = tpu.memref_slice %arg4[%add3A_24] : memref<49152xf32, #tpu.memory_space<hbm>> -> memref<512xf32, #tpu.memory_space<hbm>>
      %dma_start3A_70 = tpu.memref_slice %arg4[%add3A_24] : memref<49152xf32, #tpu.memory_space<hbm>> -> memref<512xf32, #tpu.memory_space<hbm>>
      tpu.enqueue_dma source(%dma_start3A_70 : memref<512xf32, #tpu.memory_space<hbm>>) target(%arg13 : memref<512xf32, #tpu.memory_space<vmem>>) target_semaphore(%run_scoped3A : memref<!tpu.dma_semaphore, #tpu.memory_space<semaphore_mem>>)
      %dma_wait3A = tpu.memref_slice %arg4[%add3A_24] : memref<49152xf32, #tpu.memory_space<hbm>> -> memref<512xf32, #tpu.memory_space<hbm>>
      %dma_wait3A_71 = tpu.memref_slice %arg4[%add3A_24] : memref<49152xf32, #tpu.memory_space<hbm>> -> memref<512xf32, #tpu.memory_space<hbm>>
      tpu.wait_dma2 semaphore(%run_scoped3A : memref<!tpu.dma_semaphore, #tpu.memory_space<semaphore_mem>>) src(%dma_wait3A_71 : memref<512xf32, #tpu.memory_space<hbm>>) dst(%arg13 : memref<512xf32, #tpu.memory_space<vmem>>)
      tpu.yield
    }) : () -> ()
    %add3A_25 = arith.constant 0 : i32
    %add3A_26 = arith.addi %add3A_25, %mul3A_20 : i32
    "tpu.region"() ({
      %run_scoped3A = tpu.sem_alloc : memref<!tpu.dma_semaphore, #tpu.memory_space<semaphore_mem>>
      %dma_start3A = tpu.memref_slice %arg5[%add3A_26] : memref<49152xf32, #tpu.memory_space<hbm>> -> memref<4096xf32, #tpu.memory_space<hbm>>
      %dma_start3A_70 = tpu.memref_slice %arg5[%add3A_26] : memref<49152xf32, #tpu.memory_space<hbm>> -> memref<4096xf32, #tpu.memory_space<hbm>>
      tpu.enqueue_dma source(%dma_start3A_70 : memref<4096xf32, #tpu.memory_space<hbm>>) target(%arg10 : memref<4096xf32, #tpu.memory_space<vmem>>) target_semaphore(%run_scoped3A : memref<!tpu.dma_semaphore, #tpu.memory_space<semaphore_mem>>)
      %dma_wait3A = tpu.memref_slice %arg5[%add3A_26] : memref<49152xf32, #tpu.memory_space<hbm>> -> memref<4096xf32, #tpu.memory_space<hbm>>
      %dma_wait3A_71 = tpu.memref_slice %arg5[%add3A_26] : memref<49152xf32, #tpu.memory_space<hbm>> -> memref<4096xf32, #tpu.memory_space<hbm>>
      tpu.wait_dma2 semaphore(%run_scoped3A : memref<!tpu.dma_semaphore, #tpu.memory_space<semaphore_mem>>) src(%dma_wait3A_71 : memref<4096xf32, #tpu.memory_space<hbm>>) dst(%arg10 : memref<4096xf32, #tpu.memory_space<vmem>>)
      tpu.yield
    }) : () -> ()
    %add3A_27 = arith.constant 0 : i32
    %add3A_28 = arith.addi %add3A_27, %mul3A_2 : i32
    "tpu.region"() ({
      %run_scoped3A = tpu.sem_alloc : memref<!tpu.dma_semaphore, #tpu.memory_space<semaphore_mem>>
      %dma_start3A = tpu.memref_slice %arg5[%add3A_28] : memref<49152xf32, #tpu.memory_space<hbm>> -> memref<512xf32, #tpu.memory_space<hbm>>
      %dma_start3A_70 = tpu.memref_slice %arg5[%add3A_28] : memref<49152xf32, #tpu.memory_space<hbm>> -> memref<512xf32, #tpu.memory_space<hbm>>
      tpu.enqueue_dma source(%dma_start3A_70 : memref<512xf32, #tpu.memory_space<hbm>>) target(%arg16 : memref<512xf32, #tpu.memory_space<vmem>>) target_semaphore(%run_scoped3A : memref<!tpu.dma_semaphore, #tpu.memory_space<semaphore_mem>>)
      %dma_wait3A = tpu.memref_slice %arg5[%add3A_28] : memref<49152xf32, #tpu.memory_space<hbm>> -> memref<512xf32, #tpu.memory_space<hbm>>
      %dma_wait3A_71 = tpu.memref_slice %arg5[%add3A_28] : memref<49152xf32, #tpu.memory_space<hbm>> -> memref<512xf32, #tpu.memory_space<hbm>>
      tpu.wait_dma2 semaphore(%run_scoped3A : memref<!tpu.dma_semaphore, #tpu.memory_space<semaphore_mem>>) src(%dma_wait3A_71 : memref<512xf32, #tpu.memory_space<hbm>>) dst(%arg16 : memref<512xf32, #tpu.memory_space<vmem>>)
      tpu.yield
    }) : () -> ()
    %add3A_29 = arith.constant 16384 : i32
    %add3A_30 = arith.addi %add3A_29, %mul3A_20 : i32
    "tpu.region"() ({
      %run_scoped3A = tpu.sem_alloc : memref<!tpu.dma_semaphore, #tpu.memory_space<semaphore_mem>>
      %dma_start3A = tpu.memref_slice %arg4[%add3A_30] : memref<49152xf32, #tpu.memory_space<hbm>> -> memref<4096xf32, #tpu.memory_space<hbm>>
      %dma_start3A_70 = tpu.memref_slice %arg4[%add3A_30] : memref<49152xf32, #tpu.memory_space<hbm>> -> memref<4096xf32, #tpu.memory_space<hbm>>
      tpu.enqueue_dma source(%dma_start3A_70 : memref<4096xf32, #tpu.memory_space<hbm>>) target(%arg8 : memref<4096xf32, #tpu.memory_space<vmem>>) target_semaphore(%run_scoped3A : memref<!tpu.dma_semaphore, #tpu.memory_space<semaphore_mem>>)
      %dma_wait3A = tpu.memref_slice %arg4[%add3A_30] : memref<49152xf32, #tpu.memory_space<hbm>> -> memref<4096xf32, #tpu.memory_space<hbm>>
      %dma_wait3A_71 = tpu.memref_slice %arg4[%add3A_30] : memref<49152xf32, #tpu.memory_space<hbm>> -> memref<4096xf32, #tpu.memory_space<hbm>>
      tpu.wait_dma2 semaphore(%run_scoped3A : memref<!tpu.dma_semaphore, #tpu.memory_space<semaphore_mem>>) src(%dma_wait3A_71 : memref<4096xf32, #tpu.memory_space<hbm>>) dst(%arg8 : memref<4096xf32, #tpu.memory_space<vmem>>)
      tpu.yield
    }) : () -> ()
    %add3A_31 = arith.constant 16384 : i32
    %add3A_32 = arith.addi %add3A_31, %mul3A_2 : i32
    "tpu.region"() ({
      %run_scoped3A = tpu.sem_alloc : memref<!tpu.dma_semaphore, #tpu.memory_space<semaphore_mem>>
      %dma_start3A = tpu.memref_slice %arg4[%add3A_32] : memref<49152xf32, #tpu.memory_space<hbm>> -> memref<512xf32, #tpu.memory_space<hbm>>
      %dma_start3A_70 = tpu.memref_slice %arg4[%add3A_32] : memref<49152xf32, #tpu.memory_space<hbm>> -> memref<512xf32, #tpu.memory_space<hbm>>
      tpu.enqueue_dma source(%dma_start3A_70 : memref<512xf32, #tpu.memory_space<hbm>>) target(%arg14 : memref<512xf32, #tpu.memory_space<vmem>>) target_semaphore(%run_scoped3A : memref<!tpu.dma_semaphore, #tpu.memory_space<semaphore_mem>>)
      %dma_wait3A = tpu.memref_slice %arg4[%add3A_32] : memref<49152xf32, #tpu.memory_space<hbm>> -> memref<512xf32, #tpu.memory_space<hbm>>
      %dma_wait3A_71 = tpu.memref_slice %arg4[%add3A_32] : memref<49152xf32, #tpu.memory_space<hbm>> -> memref<512xf32, #tpu.memory_space<hbm>>
      tpu.wait_dma2 semaphore(%run_scoped3A : memref<!tpu.dma_semaphore, #tpu.memory_space<semaphore_mem>>) src(%dma_wait3A_71 : memref<512xf32, #tpu.memory_space<hbm>>) dst(%arg14 : memref<512xf32, #tpu.memory_space<vmem>>)
      tpu.yield
    }) : () -> ()
    %add3A_33 = arith.constant 16384 : i32
    %add3A_34 = arith.addi %add3A_33, %mul3A_20 : i32
    "tpu.region"() ({
      %run_scoped3A = tpu.sem_alloc : memref<!tpu.dma_semaphore, #tpu.memory_space<semaphore_mem>>
      %dma_start3A = tpu.memref_slice %arg5[%add3A_34] : memref<49152xf32, #tpu.memory_space<hbm>> -> memref<4096xf32, #tpu.memory_space<hbm>>
      %dma_start3A_70 = tpu.memref_slice %arg5[%add3A_34] : memref<49152xf32, #tpu.memory_space<hbm>> -> memref<4096xf32, #tpu.memory_space<hbm>>
      tpu.enqueue_dma source(%dma_start3A_70 : memref<4096xf32, #tpu.memory_space<hbm>>) target(%arg11 : memref<4096xf32, #tpu.memory_space<vmem>>) target_semaphore(%run_scoped3A : memref<!tpu.dma_semaphore, #tpu.memory_space<semaphore_mem>>)
      %dma_wait3A = tpu.memref_slice %arg5[%add3A_34] : memref<49152xf32, #tpu.memory_space<hbm>> -> memref<4096xf32, #tpu.memory_space<hbm>>
      %dma_wait3A_71 = tpu.memref_slice %arg5[%add3A_34] : memref<49152xf32, #tpu.memory_space<hbm>> -> memref<4096xf32, #tpu.memory_space<hbm>>
      tpu.wait_dma2 semaphore(%run_scoped3A : memref<!tpu.dma_semaphore, #tpu.memory_space<semaphore_mem>>) src(%dma_wait3A_71 : memref<4096xf32, #tpu.memory_space<hbm>>) dst(%arg11 : memref<4096xf32, #tpu.memory_space<vmem>>)
      tpu.yield
    }) : () -> ()
    %add3A_35 = arith.constant 16384 : i32
    %add3A_36 = arith.addi %add3A_35, %mul3A_2 : i32
    "tpu.region"() ({
      %run_scoped3A = tpu.sem_alloc : memref<!tpu.dma_semaphore, #tpu.memory_space<semaphore_mem>>
      %dma_start3A = tpu.memref_slice %arg5[%add3A_36] : memref<49152xf32, #tpu.memory_space<hbm>> -> memref<512xf32, #tpu.memory_space<hbm>>
      %dma_start3A_70 = tpu.memref_slice %arg5[%add3A_36] : memref<49152xf32, #tpu.memory_space<hbm>> -> memref<512xf32, #tpu.memory_space<hbm>>
      tpu.enqueue_dma source(%dma_start3A_70 : memref<512xf32, #tpu.memory_space<hbm>>) target(%arg17 : memref<512xf32, #tpu.memory_space<vmem>>) target_semaphore(%run_scoped3A : memref<!tpu.dma_semaphore, #tpu.memory_space<semaphore_mem>>)
      %dma_wait3A = tpu.memref_slice %arg5[%add3A_36] : memref<49152xf32, #tpu.memory_space<hbm>> -> memref<512xf32, #tpu.memory_space<hbm>>
      %dma_wait3A_71 = tpu.memref_slice %arg5[%add3A_36] : memref<49152xf32, #tpu.memory_space<hbm>> -> memref<512xf32, #tpu.memory_space<hbm>>
      tpu.wait_dma2 semaphore(%run_scoped3A : memref<!tpu.dma_semaphore, #tpu.memory_space<semaphore_mem>>) src(%dma_wait3A_71 : memref<512xf32, #tpu.memory_space<hbm>>) dst(%arg17 : memref<512xf32, #tpu.memory_space<vmem>>)
      tpu.yield
    }) : () -> ()
    %add3A_37 = arith.constant 32768 : i32
    %add3A_38 = arith.addi %add3A_37, %mul3A_20 : i32
    "tpu.region"() ({
      %run_scoped3A = tpu.sem_alloc : memref<!tpu.dma_semaphore, #tpu.memory_space<semaphore_mem>>
      %dma_start3A = tpu.memref_slice %arg4[%add3A_38] : memref<49152xf32, #tpu.memory_space<hbm>> -> memref<4096xf32, #tpu.memory_space<hbm>>
      %dma_start3A_70 = tpu.memref_slice %arg4[%add3A_38] : memref<49152xf32, #tpu.memory_space<hbm>> -> memref<4096xf32, #tpu.memory_space<hbm>>
      tpu.enqueue_dma source(%dma_start3A_70 : memref<4096xf32, #tpu.memory_space<hbm>>) target(%arg9 : memref<4096xf32, #tpu.memory_space<vmem>>) target_semaphore(%run_scoped3A : memref<!tpu.dma_semaphore, #tpu.memory_space<semaphore_mem>>)
      %dma_wait3A = tpu.memref_slice %arg4[%add3A_38] : memref<49152xf32, #tpu.memory_space<hbm>> -> memref<4096xf32, #tpu.memory_space<hbm>>
      %dma_wait3A_71 = tpu.memref_slice %arg4[%add3A_38] : memref<49152xf32, #tpu.memory_space<hbm>> -> memref<4096xf32, #tpu.memory_space<hbm>>
      tpu.wait_dma2 semaphore(%run_scoped3A : memref<!tpu.dma_semaphore, #tpu.memory_space<semaphore_mem>>) src(%dma_wait3A_71 : memref<4096xf32, #tpu.memory_space<hbm>>) dst(%arg9 : memref<4096xf32, #tpu.memory_space<vmem>>)
      tpu.yield
    }) : () -> ()
    %add3A_39 = arith.constant 32768 : i32
    %add3A_40 = arith.addi %add3A_39, %mul3A_2 : i32
    "tpu.region"() ({
      %run_scoped3A = tpu.sem_alloc : memref<!tpu.dma_semaphore, #tpu.memory_space<semaphore_mem>>
      %dma_start3A = tpu.memref_slice %arg4[%add3A_40] : memref<49152xf32, #tpu.memory_space<hbm>> -> memref<512xf32, #tpu.memory_space<hbm>>
      %dma_start3A_70 = tpu.memref_slice %arg4[%add3A_40] : memref<49152xf32, #tpu.memory_space<hbm>> -> memref<512xf32, #tpu.memory_space<hbm>>
      tpu.enqueue_dma source(%dma_start3A_70 : memref<512xf32, #tpu.memory_space<hbm>>) target(%arg15 : memref<512xf32, #tpu.memory_space<vmem>>) target_semaphore(%run_scoped3A : memref<!tpu.dma_semaphore, #tpu.memory_space<semaphore_mem>>)
      %dma_wait3A = tpu.memref_slice %arg4[%add3A_40] : memref<49152xf32, #tpu.memory_space<hbm>> -> memref<512xf32, #tpu.memory_space<hbm>>
      %dma_wait3A_71 = tpu.memref_slice %arg4[%add3A_40] : memref<49152xf32, #tpu.memory_space<hbm>> -> memref<512xf32, #tpu.memory_space<hbm>>
      tpu.wait_dma2 semaphore(%run_scoped3A : memref<!tpu.dma_semaphore, #tpu.memory_space<semaphore_mem>>) src(%dma_wait3A_71 : memref<512xf32, #tpu.memory_space<hbm>>) dst(%arg15 : memref<512xf32, #tpu.memory_space<vmem>>)
      tpu.yield
    }) : () -> ()
    %add3A_41 = arith.constant 32768 : i32
    %add3A_42 = arith.addi %add3A_41, %mul3A_20 : i32
    "tpu.region"() ({
      %run_scoped3A = tpu.sem_alloc : memref<!tpu.dma_semaphore, #tpu.memory_space<semaphore_mem>>
      %dma_start3A = tpu.memref_slice %arg5[%add3A_42] : memref<49152xf32, #tpu.memory_space<hbm>> -> memref<4096xf32, #tpu.memory_space<hbm>>
      %dma_start3A_70 = tpu.memref_slice %arg5[%add3A_42] : memref<49152xf32, #tpu.memory_space<hbm>> -> memref<4096xf32, #tpu.memory_space<hbm>>
      tpu.enqueue_dma source(%dma_start3A_70 : memref<4096xf32, #tpu.memory_space<hbm>>) target(%arg12 : memref<4096xf32, #tpu.memory_space<vmem>>) target_semaphore(%run_scoped3A : memref<!tpu.dma_semaphore, #tpu.memory_space<semaphore_mem>>)
      %dma_wait3A = tpu.memref_slice %arg5[%add3A_42] : memref<49152xf32, #tpu.memory_space<hbm>> -> memref<4096xf32, #tpu.memory_space<hbm>>
      %dma_wait3A_71 = tpu.memref_slice %arg5[%add3A_42] : memref<49152xf32, #tpu.memory_space<hbm>> -> memref<4096xf32, #tpu.memory_space<hbm>>
      tpu.wait_dma2 semaphore(%run_scoped3A : memref<!tpu.dma_semaphore, #tpu.memory_space<semaphore_mem>>) src(%dma_wait3A_71 : memref<4096xf32, #tpu.memory_space<hbm>>) dst(%arg12 : memref<4096xf32, #tpu.memory_space<vmem>>)
      tpu.yield
    }) : () -> ()
    %add3A_43 = arith.constant 32768 : i32
    %add3A_44 = arith.addi %add3A_43, %mul3A_2 : i32
    "tpu.region"() ({
      %run_scoped3A = tpu.sem_alloc : memref<!tpu.dma_semaphore, #tpu.memory_space<semaphore_mem>>
      %dma_start3A = tpu.memref_slice %arg5[%add3A_44] : memref<49152xf32, #tpu.memory_space<hbm>> -> memref<512xf32, #tpu.memory_space<hbm>>
      %dma_start3A_70 = tpu.memref_slice %arg5[%add3A_44] : memref<49152xf32, #tpu.memory_space<hbm>> -> memref<512xf32, #tpu.memory_space<hbm>>
      tpu.enqueue_dma source(%dma_start3A_70 : memref<512xf32, #tpu.memory_space<hbm>>) target(%arg18 : memref<512xf32, #tpu.memory_space<vmem>>) target_semaphore(%run_scoped3A : memref<!tpu.dma_semaphore, #tpu.memory_space<semaphore_mem>>)
      %dma_wait3A = tpu.memref_slice %arg5[%add3A_44] : memref<49152xf32, #tpu.memory_space<hbm>> -> memref<512xf32, #tpu.memory_space<hbm>>
      %dma_wait3A_71 = tpu.memref_slice %arg5[%add3A_44] : memref<49152xf32, #tpu.memory_space<hbm>> -> memref<512xf32, #tpu.memory_space<hbm>>
      tpu.wait_dma2 semaphore(%run_scoped3A : memref<!tpu.dma_semaphore, #tpu.memory_space<semaphore_mem>>) src(%dma_wait3A_71 : memref<512xf32, #tpu.memory_space<hbm>>) dst(%arg18 : memref<512xf32, #tpu.memory_space<vmem>>)
      tpu.yield
    }) : () -> ()
    %add3A_45 = arith.constant 0 : i32
    %add3A_46 = arith.addi %add3A_45, %mul3A_2 : i32
    "tpu.region"() ({
      %run_scoped3A = tpu.sem_alloc : memref<!tpu.dma_semaphore, #tpu.memory_space<semaphore_mem>>
      %dma_start3A = tpu.memref_slice %arg2[%add3A_46] : memref<81920xf32, #tpu.memory_space<hbm>> -> memref<512xf32, #tpu.memory_space<hbm>>
      %dma_start3A_70 = tpu.memref_slice %arg2[%add3A_46] : memref<81920xf32, #tpu.memory_space<hbm>> -> memref<512xf32, #tpu.memory_space<hbm>>
      tpu.enqueue_dma source(%dma_start3A_70 : memref<512xf32, #tpu.memory_space<hbm>>) target(%arg19 : memref<512xf32, #tpu.memory_space<vmem>>) target_semaphore(%run_scoped3A : memref<!tpu.dma_semaphore, #tpu.memory_space<semaphore_mem>>)
      %dma_wait3A = tpu.memref_slice %arg2[%add3A_46] : memref<81920xf32, #tpu.memory_space<hbm>> -> memref<512xf32, #tpu.memory_space<hbm>>
      %dma_wait3A_71 = tpu.memref_slice %arg2[%add3A_46] : memref<81920xf32, #tpu.memory_space<hbm>> -> memref<512xf32, #tpu.memory_space<hbm>>
      tpu.wait_dma2 semaphore(%run_scoped3A : memref<!tpu.dma_semaphore, #tpu.memory_space<semaphore_mem>>) src(%dma_wait3A_71 : memref<512xf32, #tpu.memory_space<hbm>>) dst(%arg19 : memref<512xf32, #tpu.memory_space<vmem>>)
      tpu.yield
    }) : () -> ()
    %add3A_47 = arith.constant 0 : i32
    %add3A_48 = arith.addi %add3A_47, %mul3A_2 : i32
    "tpu.region"() ({
      %run_scoped3A = tpu.sem_alloc : memref<!tpu.dma_semaphore, #tpu.memory_space<semaphore_mem>>
      %dma_start3A = tpu.memref_slice %arg3[%add3A_48] : memref<81920xi32, #tpu.memory_space<hbm>> -> memref<512xi32, #tpu.memory_space<hbm>>
      %dma_start3A_70 = tpu.memref_slice %arg3[%add3A_48] : memref<81920xi32, #tpu.memory_space<hbm>> -> memref<512xi32, #tpu.memory_space<hbm>>
      tpu.enqueue_dma source(%dma_start3A_70 : memref<512xi32, #tpu.memory_space<hbm>>) target(%arg24 : memref<512xi32, #tpu.memory_space<vmem>>) target_semaphore(%run_scoped3A : memref<!tpu.dma_semaphore, #tpu.memory_space<semaphore_mem>>)
      %dma_wait3A = tpu.memref_slice %arg3[%add3A_48] : memref<81920xi32, #tpu.memory_space<hbm>> -> memref<512xi32, #tpu.memory_space<hbm>>
      %dma_wait3A_71 = tpu.memref_slice %arg3[%add3A_48] : memref<81920xi32, #tpu.memory_space<hbm>> -> memref<512xi32, #tpu.memory_space<hbm>>
      tpu.wait_dma2 semaphore(%run_scoped3A : memref<!tpu.dma_semaphore, #tpu.memory_space<semaphore_mem>>) src(%dma_wait3A_71 : memref<512xi32, #tpu.memory_space<hbm>>) dst(%arg24 : memref<512xi32, #tpu.memory_space<vmem>>)
      tpu.yield
    }) : () -> ()
    %add3A_49 = arith.constant 16384 : i32
    %add3A_50 = arith.addi %add3A_49, %mul3A_2 : i32
    "tpu.region"() ({
      %run_scoped3A = tpu.sem_alloc : memref<!tpu.dma_semaphore, #tpu.memory_space<semaphore_mem>>
      %dma_start3A = tpu.memref_slice %arg2[%add3A_50] : memref<81920xf32, #tpu.memory_space<hbm>> -> memref<512xf32, #tpu.memory_space<hbm>>
      %dma_start3A_70 = tpu.memref_slice %arg2[%add3A_50] : memref<81920xf32, #tpu.memory_space<hbm>> -> memref<512xf32, #tpu.memory_space<hbm>>
      tpu.enqueue_dma source(%dma_start3A_70 : memref<512xf32, #tpu.memory_space<hbm>>) target(%arg20 : memref<512xf32, #tpu.memory_space<vmem>>) target_semaphore(%run_scoped3A : memref<!tpu.dma_semaphore, #tpu.memory_space<semaphore_mem>>)
      %dma_wait3A = tpu.memref_slice %arg2[%add3A_50] : memref<81920xf32, #tpu.memory_space<hbm>> -> memref<512xf32, #tpu.memory_space<hbm>>
      %dma_wait3A_71 = tpu.memref_slice %arg2[%add3A_50] : memref<81920xf32, #tpu.memory_space<hbm>> -> memref<512xf32, #tpu.memory_space<hbm>>
      tpu.wait_dma2 semaphore(%run_scoped3A : memref<!tpu.dma_semaphore, #tpu.memory_space<semaphore_mem>>) src(%dma_wait3A_71 : memref<512xf32, #tpu.memory_space<hbm>>) dst(%arg20 : memref<512xf32, #tpu.memory_space<vmem>>)
      tpu.yield
    }) : () -> ()
    %add3A_51 = arith.constant 16384 : i32
    %add3A_52 = arith.addi %add3A_51, %mul3A_2 : i32
    "tpu.region"() ({
      %run_scoped3A = tpu.sem_alloc : memref<!tpu.dma_semaphore, #tpu.memory_space<semaphore_mem>>
      %dma_start3A = tpu.memref_slice %arg3[%add3A_52] : memref<81920xi32, #tpu.memory_space<hbm>> -> memref<512xi32, #tpu.memory_space<hbm>>
      %dma_start3A_70 = tpu.memref_slice %arg3[%add3A_52] : memref<81920xi32, #tpu.memory_space<hbm>> -> memref<512xi32, #tpu.memory_space<hbm>>
      tpu.enqueue_dma source(%dma_start3A_70 : memref<512xi32, #tpu.memory_space<hbm>>) target(%arg25 : memref<512xi32, #tpu.memory_space<vmem>>) target_semaphore(%run_scoped3A : memref<!tpu.dma_semaphore, #tpu.memory_space<semaphore_mem>>)
      %dma_wait3A = tpu.memref_slice %arg3[%add3A_52] : memref<81920xi32, #tpu.memory_space<hbm>> -> memref<512xi32, #tpu.memory_space<hbm>>
      %dma_wait3A_71 = tpu.memref_slice %arg3[%add3A_52] : memref<81920xi32, #tpu.memory_space<hbm>> -> memref<512xi32, #tpu.memory_space<hbm>>
      tpu.wait_dma2 semaphore(%run_scoped3A : memref<!tpu.dma_semaphore, #tpu.memory_space<semaphore_mem>>) src(%dma_wait3A_71 : memref<512xi32, #tpu.memory_space<hbm>>) dst(%arg25 : memref<512xi32, #tpu.memory_space<vmem>>)
      tpu.yield
    }) : () -> ()
    %add3A_53 = arith.constant 32768 : i32
    %add3A_54 = arith.addi %add3A_53, %mul3A_2 : i32
    "tpu.region"() ({
      %run_scoped3A = tpu.sem_alloc : memref<!tpu.dma_semaphore, #tpu.memory_space<semaphore_mem>>
      %dma_start3A = tpu.memref_slice %arg2[%add3A_54] : memref<81920xf32, #tpu.memory_space<hbm>> -> memref<512xf32, #tpu.memory_space<hbm>>
      %dma_start3A_70 = tpu.memref_slice %arg2[%add3A_54] : memref<81920xf32, #tpu.memory_space<hbm>> -> memref<512xf32, #tpu.memory_space<hbm>>
      tpu.enqueue_dma source(%dma_start3A_70 : memref<512xf32, #tpu.memory_space<hbm>>) target(%arg21 : memref<512xf32, #tpu.memory_space<vmem>>) target_semaphore(%run_scoped3A : memref<!tpu.dma_semaphore, #tpu.memory_space<semaphore_mem>>)
      %dma_wait3A = tpu.memref_slice %arg2[%add3A_54] : memref<81920xf32, #tpu.memory_space<hbm>> -> memref<512xf32, #tpu.memory_space<hbm>>
      %dma_wait3A_71 = tpu.memref_slice %arg2[%add3A_54] : memref<81920xf32, #tpu.memory_space<hbm>> -> memref<512xf32, #tpu.memory_space<hbm>>
      tpu.wait_dma2 semaphore(%run_scoped3A : memref<!tpu.dma_semaphore, #tpu.memory_space<semaphore_mem>>) src(%dma_wait3A_71 : memref<512xf32, #tpu.memory_space<hbm>>) dst(%arg21 : memref<512xf32, #tpu.memory_space<vmem>>)
      tpu.yield
    }) : () -> ()
    %add3A_55 = arith.constant 32768 : i32
    %add3A_56 = arith.addi %add3A_55, %mul3A_2 : i32
    "tpu.region"() ({
      %run_scoped3A = tpu.sem_alloc : memref<!tpu.dma_semaphore, #tpu.memory_space<semaphore_mem>>
      %dma_start3A = tpu.memref_slice %arg3[%add3A_56] : memref<81920xi32, #tpu.memory_space<hbm>> -> memref<512xi32, #tpu.memory_space<hbm>>
      %dma_start3A_70 = tpu.memref_slice %arg3[%add3A_56] : memref<81920xi32, #tpu.memory_space<hbm>> -> memref<512xi32, #tpu.memory_space<hbm>>
      tpu.enqueue_dma source(%dma_start3A_70 : memref<512xi32, #tpu.memory_space<hbm>>) target(%arg26 : memref<512xi32, #tpu.memory_space<vmem>>) target_semaphore(%run_scoped3A : memref<!tpu.dma_semaphore, #tpu.memory_space<semaphore_mem>>)
      %dma_wait3A = tpu.memref_slice %arg3[%add3A_56] : memref<81920xi32, #tpu.memory_space<hbm>> -> memref<512xi32, #tpu.memory_space<hbm>>
      %dma_wait3A_71 = tpu.memref_slice %arg3[%add3A_56] : memref<81920xi32, #tpu.memory_space<hbm>> -> memref<512xi32, #tpu.memory_space<hbm>>
      tpu.wait_dma2 semaphore(%run_scoped3A : memref<!tpu.dma_semaphore, #tpu.memory_space<semaphore_mem>>) src(%dma_wait3A_71 : memref<512xi32, #tpu.memory_space<hbm>>) dst(%arg26 : memref<512xi32, #tpu.memory_space<vmem>>)
      tpu.yield
    }) : () -> ()
    %add3A_57 = arith.constant 49152 : i32
    %add3A_58 = arith.addi %add3A_57, %mul3A_2 : i32
    "tpu.region"() ({
      %run_scoped3A = tpu.sem_alloc : memref<!tpu.dma_semaphore, #tpu.memory_space<semaphore_mem>>
      %dma_start3A = tpu.memref_slice %arg2[%add3A_58] : memref<81920xf32, #tpu.memory_space<hbm>> -> memref<512xf32, #tpu.memory_space<hbm>>
      %dma_start3A_70 = tpu.memref_slice %arg2[%add3A_58] : memref<81920xf32, #tpu.memory_space<hbm>> -> memref<512xf32, #tpu.memory_space<hbm>>
      tpu.enqueue_dma source(%dma_start3A_70 : memref<512xf32, #tpu.memory_space<hbm>>) target(%arg22 : memref<512xf32, #tpu.memory_space<vmem>>) target_semaphore(%run_scoped3A : memref<!tpu.dma_semaphore, #tpu.memory_space<semaphore_mem>>)
      %dma_wait3A = tpu.memref_slice %arg2[%add3A_58] : memref<81920xf32, #tpu.memory_space<hbm>> -> memref<512xf32, #tpu.memory_space<hbm>>
      %dma_wait3A_71 = tpu.memref_slice %arg2[%add3A_58] : memref<81920xf32, #tpu.memory_space<hbm>> -> memref<512xf32, #tpu.memory_space<hbm>>
      tpu.wait_dma2 semaphore(%run_scoped3A : memref<!tpu.dma_semaphore, #tpu.memory_space<semaphore_mem>>) src(%dma_wait3A_71 : memref<512xf32, #tpu.memory_space<hbm>>) dst(%arg22 : memref<512xf32, #tpu.memory_space<vmem>>)
      tpu.yield
    }) : () -> ()
    %add3A_59 = arith.constant 49152 : i32
    %add3A_60 = arith.addi %add3A_59, %mul3A_2 : i32
    "tpu.region"() ({
      %run_scoped3A = tpu.sem_alloc : memref<!tpu.dma_semaphore, #tpu.memory_space<semaphore_mem>>
      %dma_start3A = tpu.memref_slice %arg3[%add3A_60] : memref<81920xi32, #tpu.memory_space<hbm>> -> memref<512xi32, #tpu.memory_space<hbm>>
      %dma_start3A_70 = tpu.memref_slice %arg3[%add3A_60] : memref<81920xi32, #tpu.memory_space<hbm>> -> memref<512xi32, #tpu.memory_space<hbm>>
      tpu.enqueue_dma source(%dma_start3A_70 : memref<512xi32, #tpu.memory_space<hbm>>) target(%arg27 : memref<512xi32, #tpu.memory_space<vmem>>) target_semaphore(%run_scoped3A : memref<!tpu.dma_semaphore, #tpu.memory_space<semaphore_mem>>)
      %dma_wait3A = tpu.memref_slice %arg3[%add3A_60] : memref<81920xi32, #tpu.memory_space<hbm>> -> memref<512xi32, #tpu.memory_space<hbm>>
      %dma_wait3A_71 = tpu.memref_slice %arg3[%add3A_60] : memref<81920xi32, #tpu.memory_space<hbm>> -> memref<512xi32, #tpu.memory_space<hbm>>
      tpu.wait_dma2 semaphore(%run_scoped3A : memref<!tpu.dma_semaphore, #tpu.memory_space<semaphore_mem>>) src(%dma_wait3A_71 : memref<512xi32, #tpu.memory_space<hbm>>) dst(%arg27 : memref<512xi32, #tpu.memory_space<vmem>>)
      tpu.yield
    }) : () -> ()
    %add3A_61 = arith.constant 65536 : i32
    %add3A_62 = arith.addi %add3A_61, %mul3A_2 : i32
    "tpu.region"() ({
      %run_scoped3A = tpu.sem_alloc : memref<!tpu.dma_semaphore, #tpu.memory_space<semaphore_mem>>
      %dma_start3A = tpu.memref_slice %arg2[%add3A_62] : memref<81920xf32, #tpu.memory_space<hbm>> -> memref<512xf32, #tpu.memory_space<hbm>>
      %dma_start3A_70 = tpu.memref_slice %arg2[%add3A_62] : memref<81920xf32, #tpu.memory_space<hbm>> -> memref<512xf32, #tpu.memory_space<hbm>>
      tpu.enqueue_dma source(%dma_start3A_70 : memref<512xf32, #tpu.memory_space<hbm>>) target(%arg23 : memref<512xf32, #tpu.memory_space<vmem>>) target_semaphore(%run_scoped3A : memref<!tpu.dma_semaphore, #tpu.memory_space<semaphore_mem>>)
      %dma_wait3A = tpu.memref_slice %arg2[%add3A_62] : memref<81920xf32, #tpu.memory_space<hbm>> -> memref<512xf32, #tpu.memory_space<hbm>>
      %dma_wait3A_71 = tpu.memref_slice %arg2[%add3A_62] : memref<81920xf32, #tpu.memory_space<hbm>> -> memref<512xf32, #tpu.memory_space<hbm>>
      tpu.wait_dma2 semaphore(%run_scoped3A : memref<!tpu.dma_semaphore, #tpu.memory_space<semaphore_mem>>) src(%dma_wait3A_71 : memref<512xf32, #tpu.memory_space<hbm>>) dst(%arg23 : memref<512xf32, #tpu.memory_space<vmem>>)
      tpu.yield
    }) : () -> ()
    %add3A_63 = arith.constant 65536 : i32
    %add3A_64 = arith.addi %add3A_63, %mul3A_2 : i32
    "tpu.region"() ({
      %run_scoped3A = tpu.sem_alloc : memref<!tpu.dma_semaphore, #tpu.memory_space<semaphore_mem>>
      %dma_start3A = tpu.memref_slice %arg3[%add3A_64] : memref<81920xi32, #tpu.memory_space<hbm>> -> memref<512xi32, #tpu.memory_space<hbm>>
      %dma_start3A_70 = tpu.memref_slice %arg3[%add3A_64] : memref<81920xi32, #tpu.memory_space<hbm>> -> memref<512xi32, #tpu.memory_space<hbm>>
      tpu.enqueue_dma source(%dma_start3A_70 : memref<512xi32, #tpu.memory_space<hbm>>) target(%arg28 : memref<512xi32, #tpu.memory_space<vmem>>) target_semaphore(%run_scoped3A : memref<!tpu.dma_semaphore, #tpu.memory_space<semaphore_mem>>)
      %dma_wait3A = tpu.memref_slice %arg3[%add3A_64] : memref<81920xi32, #tpu.memory_space<hbm>> -> memref<512xi32, #tpu.memory_space<hbm>>
      %dma_wait3A_71 = tpu.memref_slice %arg3[%add3A_64] : memref<81920xi32, #tpu.memory_space<hbm>> -> memref<512xi32, #tpu.memory_space<hbm>>
      tpu.wait_dma2 semaphore(%run_scoped3A : memref<!tpu.dma_semaphore, #tpu.memory_space<semaphore_mem>>) src(%dma_wait3A_71 : memref<512xi32, #tpu.memory_space<hbm>>) dst(%arg28 : memref<512xi32, #tpu.memory_space<vmem>>)
      tpu.yield
    }) : () -> ()
    %scan3A = arith.constant 0 : i32
    %scan3A_65 = arith.constant 0 : i32
    %scan3A_66 = arith.constant 32 : i32
    %scan3A_67 = arith.addi %scan3A_65, %scan3A_66 : i32
    %scan3A_68 = arith.constant 1 : i32
    scf.for %scan3A_70 = %scan3A_65 to %scan3A_67 step %scan3A_68  : i32 {
      %mul3A_71 = arith.constant 16 : i32
      %mul3A_72 = arith.muli %scan3A_70, %mul3A_71 : i32
      %get3A = arith.index_cast %mul3A_72 : i32 to index
      %get3A_73 = tpu.vector_load %arg13[%get3A] {strides = array<i32>} : memref<512xf32, #tpu.memory_space<vmem>>, vector<16xf32>,
      %get3A_74 = arith.index_cast %mul3A_72 : i32 to index
      %get3A_75 = tpu.vector_load %arg14[%get3A_74] {strides = array<i32>} : memref<512xf32, #tpu.memory_space<vmem>>, vector<16xf32>,
      %get3A_76 = arith.index_cast %mul3A_72 : i32 to index
      %get3A_77 = tpu.vector_load %arg15[%get3A_76] {strides = array<i32>} : memref<512xf32, #tpu.memory_space<vmem>>, vector<16xf32>,
      %get3A_78 = arith.index_cast %mul3A_72 : i32 to index
      %get3A_79 = tpu.vector_load %arg16[%get3A_78] {strides = array<i32>} : memref<512xf32, #tpu.memory_space<vmem>>, vector<16xf32>,
      %get3A_80 = arith.index_cast %mul3A_72 : i32 to index
      %get3A_81 = tpu.vector_load %arg17[%get3A_80] {strides = array<i32>} : memref<512xf32, #tpu.memory_space<vmem>>, vector<16xf32>,
      %get3A_82 = arith.index_cast %mul3A_72 : i32 to index
      %get3A_83 = tpu.vector_load %arg18[%get3A_82] {strides = array<i32>} : memref<512xf32, #tpu.memory_space<vmem>>, vector<16xf32>,
      %get3A_84 = arith.index_cast %mul3A_72 : i32 to index
      %get3A_85 = tpu.vector_load %arg19[%get3A_84] {strides = array<i32>} : memref<512xf32, #tpu.memory_space<vmem>>, vector<16xf32>,
      %mul3A_86 = arith.constant 8.000000e+00 : f32
      %mul3A_87 = vector.broadcast %mul3A_86 : f32 to vector<16xf32>
      %mul3A_88 = arith.mulf %get3A_85, %mul3A_87 : vector<16xf32>
      %lt3A = arith.constant 1.000000e-10 : f32
      %lt3A_89 = vector.broadcast %lt3A : f32 to vector<16xf32>
      %lt3A_90 = arith.cmpf olt, %mul3A_88, %lt3A_89 : vector<16xf32>
      %jit3A_91 = arith.constant 1.000000e-10 : f32
      %broadcast_in_dim3A = vector.broadcast %jit3A_91 : f32 to vector<16xf32>
      %select_n3A_92 = arith.select %lt3A_90, %broadcast_in_dim3A, %mul3A_88 : vector<16xi1>, vector<16xf32>
      %lt3A_93 = arith.constant 1.000000e-10 : f32
      %lt3A_94 = vector.broadcast %lt3A_93 : f32 to vector<16xf32>
      %lt3A_95 = arith.cmpf olt, %get3A_85, %lt3A_94 : vector<16xf32>
      %jit3A_96 = arith.constant 1.000000e-10 : f32
      %broadcast_in_dim3A_97 = vector.broadcast %jit3A_96 : f32 to vector<16xf32>
      %select_n3A_98 = arith.select %lt3A_95, %broadcast_in_dim3A_97, %get3A_85 : vector<16xi1>, vector<16xf32>
      %div3A_99 = arith.constant 1.000000e+00 : f32
      %div3A_100 = vector.broadcast %div3A_99 : f32 to vector<16xf32>
      %div3A_101 = arith.divf %div3A_100, %select_n3A_98 : vector<16xf32>
      %broadcast_in_dim3A_102 = arith.constant 0.000000e+00 : f32
      %broadcast_in_dim3A_103 = vector.broadcast %broadcast_in_dim3A_102 : f32 to vector<16xf32>
      %get3A_104 = arith.index_cast %mul3A_72 : i32 to index
      %get3A_105 = tpu.vector_load %arg19[%get3A_104] {strides = array<i32>} : memref<512xf32, #tpu.memory_space<vmem>>, vector<16xf32>,
      %get3A_106 = arith.index_cast %mul3A_72 : i32 to index
      %get3A_107 = tpu.vector_load %arg24[%get3A_106] {strides = array<i32>} : memref<512xi32, #tpu.memory_space<vmem>>, vector<16xi32>,
      %gather3A = tpu.vector_load_idx %arg7[%get3A_107] : memref<4096xf32, #tpu.memory_space<vmem>>[vector<16xi32>], vector<16xf32>,
      %gather3A_108 = tpu.vector_load_idx %arg8[%get3A_107] : memref<4096xf32, #tpu.memory_space<vmem>>[vector<16xi32>], vector<16xf32>,
      %gather3A_109 = tpu.vector_load_idx %arg9[%get3A_107] : memref<4096xf32, #tpu.memory_space<vmem>>[vector<16xi32>], vector<16xf32>,
      %gather3A_110 = tpu.vector_load_idx %arg10[%get3A_107] : memref<4096xf32, #tpu.memory_space<vmem>>[vector<16xi32>], vector<16xf32>,
      %gather3A_111 = tpu.vector_load_idx %arg11[%get3A_107] : memref<4096xf32, #tpu.memory_space<vmem>>[vector<16xi32>], vector<16xf32>,
      %gather3A_112 = tpu.vector_load_idx %arg12[%get3A_107] : memref<4096xf32, #tpu.memory_space<vmem>>[vector<16xi32>], vector<16xf32>,
      %div3A_113 = arith.divf %get3A_105, %select_n3A_92 : vector<16xf32>
      %sub3A_114 = arith.constant 1.000000e+00 : f32
      %sub3A_115 = vector.broadcast %sub3A_114 : f32 to vector<16xf32>
      %sub3A_116 = arith.subf %sub3A_115, %div3A_113 : vector<16xf32>
      %max3A = arith.constant 0.000000e+00 : f32
      %max3A_117 = vector.broadcast %max3A : f32 to vector<16xf32>
      %max3A_118 = arith.maximumf %sub3A_116, %max3A_117 : vector<16xf32>
      %mul3A_119 = arith.mulf %max3A_118, %max3A_118 : vector<16xf32>
      %mul3A_120 = arith.mulf %mul3A_119, %mul3A_119 : vector<16xf32>
      %sub3A_121 = arith.subf %gather3A, %get3A_73 : vector<16xf32>
      %sub3A_122 = arith.subf %gather3A_108, %get3A_75 : vector<16xf32>
      %sub3A_123 = arith.subf %gather3A_109, %get3A_77 : vector<16xf32>
      %mul3A_124 = arith.mulf %sub3A_121, %sub3A_121 : vector<16xf32>
      %mul3A_125 = arith.mulf %sub3A_122, %sub3A_122 : vector<16xf32>
      %add3A_126 = arith.addf %mul3A_124, %mul3A_125 : vector<16xf32>
      %mul3A_127 = arith.mulf %sub3A_123, %sub3A_123 : vector<16xf32>
      %add3A_128 = arith.addf %add3A_126, %mul3A_127 : vector<16xf32>
      %neg3A = arith.constant 0.000000e+00 : f32
      %neg3A_129 = vector.broadcast %neg3A : f32 to vector<16xf32>
      %neg3A_130 = arith.subf %neg3A_129, %add3A_128 : vector<16xf32>
      %mul3A_131 = arith.constant 1.77777779 : f32
      %mul3A_132 = vector.broadcast %mul3A_131 : f32 to vector<16xf32>
      %mul3A_133 = arith.mulf %neg3A_130, %mul3A_132 : vector<16xf32>
      %exp3A = math.exp %mul3A_133 : vector<16xf32>
      %sub3A_134 = arith.subf %gather3A_110, %get3A_79 : vector<16xf32>
      %sub3A_135 = arith.subf %gather3A_111, %get3A_81 : vector<16xf32>
      %sub3A_136 = arith.subf %gather3A_112, %get3A_83 : vector<16xf32>
      %mul3A_137 = arith.mulf %sub3A_134, %sub3A_134 : vector<16xf32>
      %mul3A_138 = arith.mulf %sub3A_135, %sub3A_135 : vector<16xf32>
      %add3A_139 = arith.addf %mul3A_137, %mul3A_138 : vector<16xf32>
      %mul3A_140 = arith.mulf %sub3A_136, %sub3A_136 : vector<16xf32>
      %add3A_141 = arith.addf %add3A_139, %mul3A_140 : vector<16xf32>
      %neg3A_142 = arith.constant 0.000000e+00 : f32
      %neg3A_143 = vector.broadcast %neg3A_142 : f32 to vector<16xf32>
      %neg3A_144 = arith.subf %neg3A_143, %add3A_141 : vector<16xf32>
      %mul3A_145 = arith.mulf %neg3A_144, %div3A_101 : vector<16xf32>
      %exp3A_146 = math.exp %mul3A_145 : vector<16xf32>
      %mul3A_147 = arith.mulf %mul3A_120, %exp3A : vector<16xf32>
      %mul3A_148 = arith.mulf %mul3A_147, %exp3A_146 : vector<16xf32>
      %mul3A_149 = arith.mulf %mul3A_148, %get3A_105 : vector<16xf32>
      %add3A_150 = arith.addf %broadcast_in_dim3A_103, %mul3A_149 : vector<16xf32>
      %get3A_151 = arith.index_cast %mul3A_72 : i32 to index
      %get3A_152 = tpu.vector_load %arg20[%get3A_151] {strides = array<i32>} : memref<512xf32, #tpu.memory_space<vmem>>, vector<16xf32>,
      %get3A_153 = arith.index_cast %mul3A_72 : i32 to index
      %get3A_154 = tpu.vector_load %arg25[%get3A_153] {strides = array<i32>} : memref<512xi32, #tpu.memory_space<vmem>>, vector<16xi32>,
      %gather3A_155 = tpu.vector_load_idx %arg7[%get3A_154] : memref<4096xf32, #tpu.memory_space<vmem>>[vector<16xi32>], vector<16xf32>,
      %gather3A_156 = tpu.vector_load_idx %arg8[%get3A_154] : memref<4096xf32, #tpu.memory_space<vmem>>[vector<16xi32>], vector<16xf32>,
      %gather3A_157 = tpu.vector_load_idx %arg9[%get3A_154] : memref<4096xf32, #tpu.memory_space<vmem>>[vector<16xi32>], vector<16xf32>,
      %gather3A_158 = tpu.vector_load_idx %arg10[%get3A_154] : memref<4096xf32, #tpu.memory_space<vmem>>[vector<16xi32>], vector<16xf32>,
      %gather3A_159 = tpu.vector_load_idx %arg11[%get3A_154] : memref<4096xf32, #tpu.memory_space<vmem>>[vector<16xi32>], vector<16xf32>,
      %gather3A_160 = tpu.vector_load_idx %arg12[%get3A_154] : memref<4096xf32, #tpu.memory_space<vmem>>[vector<16xi32>], vector<16xf32>,
      %div3A_161 = arith.divf %get3A_152, %select_n3A_92 : vector<16xf32>
      %sub3A_162 = arith.constant 1.000000e+00 : f32
      %sub3A_163 = vector.broadcast %sub3A_162 : f32 to vector<16xf32>
      %sub3A_164 = arith.subf %sub3A_163, %div3A_161 : vector<16xf32>
      %max3A_165 = arith.constant 0.000000e+00 : f32
      %max3A_166 = vector.broadcast %max3A_165 : f32 to vector<16xf32>
      %max3A_167 = arith.maximumf %sub3A_164, %max3A_166 : vector<16xf32>
      %mul3A_168 = arith.mulf %max3A_167, %max3A_167 : vector<16xf32>
      %mul3A_169 = arith.mulf %mul3A_168, %mul3A_168 : vector<16xf32>
      %sub3A_170 = arith.subf %gather3A_155, %get3A_73 : vector<16xf32>
      %sub3A_171 = arith.subf %gather3A_156, %get3A_75 : vector<16xf32>
      %sub3A_172 = arith.subf %gather3A_157, %get3A_77 : vector<16xf32>
      %mul3A_173 = arith.mulf %sub3A_170, %sub3A_170 : vector<16xf32>
      %mul3A_174 = arith.mulf %sub3A_171, %sub3A_171 : vector<16xf32>
      %add3A_175 = arith.addf %mul3A_173, %mul3A_174 : vector<16xf32>
      %mul3A_176 = arith.mulf %sub3A_172, %sub3A_172 : vector<16xf32>
      %add3A_177 = arith.addf %add3A_175, %mul3A_176 : vector<16xf32>
      %neg3A_178 = arith.constant 0.000000e+00 : f32
      %neg3A_179 = vector.broadcast %neg3A_178 : f32 to vector<16xf32>
      %neg3A_180 = arith.subf %neg3A_179, %add3A_177 : vector<16xf32>
      %mul3A_181 = arith.constant 1.77777779 : f32
      %mul3A_182 = vector.broadcast %mul3A_181 : f32 to vector<16xf32>
      %mul3A_183 = arith.mulf %neg3A_180, %mul3A_182 : vector<16xf32>
      %exp3A_184 = math.exp %mul3A_183 : vector<16xf32>
      %sub3A_185 = arith.subf %gather3A_158, %get3A_79 : vector<16xf32>
      %sub3A_186 = arith.subf %gather3A_159, %get3A_81 : vector<16xf32>
      %sub3A_187 = arith.subf %gather3A_160, %get3A_83 : vector<16xf32>
      %mul3A_188 = arith.mulf %sub3A_185, %sub3A_185 : vector<16xf32>
      %mul3A_189 = arith.mulf %sub3A_186, %sub3A_186 : vector<16xf32>
      %add3A_190 = arith.addf %mul3A_188, %mul3A_189 : vector<16xf32>
      %mul3A_191 = arith.mulf %sub3A_187, %sub3A_187 : vector<16xf32>
      %add3A_192 = arith.addf %add3A_190, %mul3A_191 : vector<16xf32>
      %neg3A_193 = arith.constant 0.000000e+00 : f32
      %neg3A_194 = vector.broadcast %neg3A_193 : f32 to vector<16xf32>
      %neg3A_195 = arith.subf %neg3A_194, %add3A_192 : vector<16xf32>
      %mul3A_196 = arith.mulf %neg3A_195, %div3A_101 : vector<16xf32>
      %exp3A_197 = math.exp %mul3A_196 : vector<16xf32>
      %mul3A_198 = arith.mulf %mul3A_169, %exp3A_184 : vector<16xf32>
      %mul3A_199 = arith.mulf %mul3A_198, %exp3A_197 : vector<16xf32>
      %mul3A_200 = arith.mulf %mul3A_199, %get3A_152 : vector<16xf32>
      %add3A_201 = arith.addf %add3A_150, %mul3A_200 : vector<16xf32>
      %get3A_202 = arith.index_cast %mul3A_72 : i32 to index
      %get3A_203 = tpu.vector_load %arg21[%get3A_202] {strides = array<i32>} : memref<512xf32, #tpu.memory_space<vmem>>, vector<16xf32>,
      %get3A_204 = arith.index_cast %mul3A_72 : i32 to index
      %get3A_205 = tpu.vector_load %arg26[%get3A_204] {strides = array<i32>} : memref<512xi32, #tpu.memory_space<vmem>>, vector<16xi32>,
      %gather3A_206 = tpu.vector_load_idx %arg7[%get3A_205] : memref<4096xf32, #tpu.memory_space<vmem>>[vector<16xi32>], vector<16xf32>,
      %gather3A_207 = tpu.vector_load_idx %arg8[%get3A_205] : memref<4096xf32, #tpu.memory_space<vmem>>[vector<16xi32>], vector<16xf32>,
      %gather3A_208 = tpu.vector_load_idx %arg9[%get3A_205] : memref<4096xf32, #tpu.memory_space<vmem>>[vector<16xi32>], vector<16xf32>,
      %gather3A_209 = tpu.vector_load_idx %arg10[%get3A_205] : memref<4096xf32, #tpu.memory_space<vmem>>[vector<16xi32>], vector<16xf32>,
      %gather3A_210 = tpu.vector_load_idx %arg11[%get3A_205] : memref<4096xf32, #tpu.memory_space<vmem>>[vector<16xi32>], vector<16xf32>,
      %gather3A_211 = tpu.vector_load_idx %arg12[%get3A_205] : memref<4096xf32, #tpu.memory_space<vmem>>[vector<16xi32>], vector<16xf32>,
      %div3A_212 = arith.divf %get3A_203, %select_n3A_92 : vector<16xf32>
      %sub3A_213 = arith.constant 1.000000e+00 : f32
      %sub3A_214 = vector.broadcast %sub3A_213 : f32 to vector<16xf32>
      %sub3A_215 = arith.subf %sub3A_214, %div3A_212 : vector<16xf32>
      %max3A_216 = arith.constant 0.000000e+00 : f32
      %max3A_217 = vector.broadcast %max3A_216 : f32 to vector<16xf32>
      %max3A_218 = arith.maximumf %sub3A_215, %max3A_217 : vector<16xf32>
      %mul3A_219 = arith.mulf %max3A_218, %max3A_218 : vector<16xf32>
      %mul3A_220 = arith.mulf %mul3A_219, %mul3A_219 : vector<16xf32>
      %sub3A_221 = arith.subf %gather3A_206, %get3A_73 : vector<16xf32>
      %sub3A_222 = arith.subf %gather3A_207, %get3A_75 : vector<16xf32>
      %sub3A_223 = arith.subf %gather3A_208, %get3A_77 : vector<16xf32>
      %mul3A_224 = arith.mulf %sub3A_221, %sub3A_221 : vector<16xf32>
      %mul3A_225 = arith.mulf %sub3A_222, %sub3A_222 : vector<16xf32>
      %add3A_226 = arith.addf %mul3A_224, %mul3A_225 : vector<16xf32>
      %mul3A_227 = arith.mulf %sub3A_223, %sub3A_223 : vector<16xf32>
      %add3A_228 = arith.addf %add3A_226, %mul3A_227 : vector<16xf32>
      %neg3A_229 = arith.constant 0.000000e+00 : f32
      %neg3A_230 = vector.broadcast %neg3A_229 : f32 to vector<16xf32>
      %neg3A_231 = arith.subf %neg3A_230, %add3A_228 : vector<16xf32>
      %mul3A_232 = arith.constant 1.77777779 : f32
      %mul3A_233 = vector.broadcast %mul3A_232 : f32 to vector<16xf32>
      %mul3A_234 = arith.mulf %neg3A_231, %mul3A_233 : vector<16xf32>
      %exp3A_235 = math.exp %mul3A_234 : vector<16xf32>
      %sub3A_236 = arith.subf %gather3A_209, %get3A_79 : vector<16xf32>
      %sub3A_237 = arith.subf %gather3A_210, %get3A_81 : vector<16xf32>
      %sub3A_238 = arith.subf %gather3A_211, %get3A_83 : vector<16xf32>
      %mul3A_239 = arith.mulf %sub3A_236, %sub3A_236 : vector<16xf32>
      %mul3A_240 = arith.mulf %sub3A_237, %sub3A_237 : vector<16xf32>
      %add3A_241 = arith.addf %mul3A_239, %mul3A_240 : vector<16xf32>
      %mul3A_242 = arith.mulf %sub3A_238, %sub3A_238 : vector<16xf32>
      %add3A_243 = arith.addf %add3A_241, %mul3A_242 : vector<16xf32>
      %neg3A_244 = arith.constant 0.000000e+00 : f32
      %neg3A_245 = vector.broadcast %neg3A_244 : f32 to vector<16xf32>
      %neg3A_246 = arith.subf %neg3A_245, %add3A_243 : vector<16xf32>
      %mul3A_247 = arith.mulf %neg3A_246, %div3A_101 : vector<16xf32>
      %exp3A_248 = math.exp %mul3A_247 : vector<16xf32>
      %mul3A_249 = arith.mulf %mul3A_220, %exp3A_235 : vector<16xf32>
      %mul3A_250 = arith.mulf %mul3A_249, %exp3A_248 : vector<16xf32>
      %mul3A_251 = arith.mulf %mul3A_250, %get3A_203 : vector<16xf32>
      %add3A_252 = arith.addf %add3A_201, %mul3A_251 : vector<16xf32>
      %get3A_253 = arith.index_cast %mul3A_72 : i32 to index
      %get3A_254 = tpu.vector_load %arg22[%get3A_253] {strides = array<i32>} : memref<512xf32, #tpu.memory_space<vmem>>, vector<16xf32>,
      %get3A_255 = arith.index_cast %mul3A_72 : i32 to index
      %get3A_256 = tpu.vector_load %arg27[%get3A_255] {strides = array<i32>} : memref<512xi32, #tpu.memory_space<vmem>>, vector<16xi32>,
      %gather3A_257 = tpu.vector_load_idx %arg7[%get3A_256] : memref<4096xf32, #tpu.memory_space<vmem>>[vector<16xi32>], vector<16xf32>,
      %gather3A_258 = tpu.vector_load_idx %arg8[%get3A_256] : memref<4096xf32, #tpu.memory_space<vmem>>[vector<16xi32>], vector<16xf32>,
      %gather3A_259 = tpu.vector_load_idx %arg9[%get3A_256] : memref<4096xf32, #tpu.memory_space<vmem>>[vector<16xi32>], vector<16xf32>,
      %gather3A_260 = tpu.vector_load_idx %arg10[%get3A_256] : memref<4096xf32, #tpu.memory_space<vmem>>[vector<16xi32>], vector<16xf32>,
      %gather3A_261 = tpu.vector_load_idx %arg11[%get3A_256] : memref<4096xf32, #tpu.memory_space<vmem>>[vector<16xi32>], vector<16xf32>,
      %gather3A_262 = tpu.vector_load_idx %arg12[%get3A_256] : memref<4096xf32, #tpu.memory_space<vmem>>[vector<16xi32>], vector<16xf32>,
      %div3A_263 = arith.divf %get3A_254, %select_n3A_92 : vector<16xf32>
      %sub3A_264 = arith.constant 1.000000e+00 : f32
      %sub3A_265 = vector.broadcast %sub3A_264 : f32 to vector<16xf32>
      %sub3A_266 = arith.subf %sub3A_265, %div3A_263 : vector<16xf32>
      %max3A_267 = arith.constant 0.000000e+00 : f32
      %max3A_268 = vector.broadcast %max3A_267 : f32 to vector<16xf32>
      %max3A_269 = arith.maximumf %sub3A_266, %max3A_268 : vector<16xf32>
      %mul3A_270 = arith.mulf %max3A_269, %max3A_269 : vector<16xf32>
      %mul3A_271 = arith.mulf %mul3A_270, %mul3A_270 : vector<16xf32>
      %sub3A_272 = arith.subf %gather3A_257, %get3A_73 : vector<16xf32>
      %sub3A_273 = arith.subf %gather3A_258, %get3A_75 : vector<16xf32>
      %sub3A_274 = arith.subf %gather3A_259, %get3A_77 : vector<16xf32>
      %mul3A_275 = arith.mulf %sub3A_272, %sub3A_272 : vector<16xf32>
      %mul3A_276 = arith.mulf %sub3A_273, %sub3A_273 : vector<16xf32>
      %add3A_277 = arith.addf %mul3A_275, %mul3A_276 : vector<16xf32>
      %mul3A_278 = arith.mulf %sub3A_274, %sub3A_274 : vector<16xf32>
      %add3A_279 = arith.addf %add3A_277, %mul3A_278 : vector<16xf32>
      %neg3A_280 = arith.constant 0.000000e+00 : f32
      %neg3A_281 = vector.broadcast %neg3A_280 : f32 to vector<16xf32>
      %neg3A_282 = arith.subf %neg3A_281, %add3A_279 : vector<16xf32>
      %mul3A_283 = arith.constant 1.77777779 : f32
      %mul3A_284 = vector.broadcast %mul3A_283 : f32 to vector<16xf32>
      %mul3A_285 = arith.mulf %neg3A_282, %mul3A_284 : vector<16xf32>
      %exp3A_286 = math.exp %mul3A_285 : vector<16xf32>
      %sub3A_287 = arith.subf %gather3A_260, %get3A_79 : vector<16xf32>
      %sub3A_288 = arith.subf %gather3A_261, %get3A_81 : vector<16xf32>
      %sub3A_289 = arith.subf %gather3A_262, %get3A_83 : vector<16xf32>
      %mul3A_290 = arith.mulf %sub3A_287, %sub3A_287 : vector<16xf32>
      %mul3A_291 = arith.mulf %sub3A_288, %sub3A_288 : vector<16xf32>
      %add3A_292 = arith.addf %mul3A_290, %mul3A_291 : vector<16xf32>
      %mul3A_293 = arith.mulf %sub3A_289, %sub3A_289 : vector<16xf32>
      %add3A_294 = arith.addf %add3A_292, %mul3A_293 : vector<16xf32>
      %neg3A_295 = arith.constant 0.000000e+00 : f32
      %neg3A_296 = vector.broadcast %neg3A_295 : f32 to vector<16xf32>
      %neg3A_297 = arith.subf %neg3A_296, %add3A_294 : vector<16xf32>
      %mul3A_298 = arith.mulf %neg3A_297, %div3A_101 : vector<16xf32>
      %exp3A_299 = math.exp %mul3A_298 : vector<16xf32>
      %mul3A_300 = arith.mulf %mul3A_271, %exp3A_286 : vector<16xf32>
      %mul3A_301 = arith.mulf %mul3A_300, %exp3A_299 : vector<16xf32>
      %mul3A_302 = arith.mulf %mul3A_301, %get3A_254 : vector<16xf32>
      %add3A_303 = arith.addf %add3A_252, %mul3A_302 : vector<16xf32>
      %get3A_304 = arith.index_cast %mul3A_72 : i32 to index
      %get3A_305 = tpu.vector_load %arg23[%get3A_304] {strides = array<i32>} : memref<512xf32, #tpu.memory_space<vmem>>, vector<16xf32>,
      %get3A_306 = arith.index_cast %mul3A_72 : i32 to index
      %get3A_307 = tpu.vector_load %arg28[%get3A_306] {strides = array<i32>} : memref<512xi32, #tpu.memory_space<vmem>>, vector<16xi32>,
      %gather3A_308 = tpu.vector_load_idx %arg7[%get3A_307] : memref<4096xf32, #tpu.memory_space<vmem>>[vector<16xi32>], vector<16xf32>,
      %gather3A_309 = tpu.vector_load_idx %arg8[%get3A_307] : memref<4096xf32, #tpu.memory_space<vmem>>[vector<16xi32>], vector<16xf32>,
      %gather3A_310 = tpu.vector_load_idx %arg9[%get3A_307] : memref<4096xf32, #tpu.memory_space<vmem>>[vector<16xi32>], vector<16xf32>,
      %gather3A_311 = tpu.vector_load_idx %arg10[%get3A_307] : memref<4096xf32, #tpu.memory_space<vmem>>[vector<16xi32>], vector<16xf32>,
      %gather3A_312 = tpu.vector_load_idx %arg11[%get3A_307] : memref<4096xf32, #tpu.memory_space<vmem>>[vector<16xi32>], vector<16xf32>,
      %gather3A_313 = tpu.vector_load_idx %arg12[%get3A_307] : memref<4096xf32, #tpu.memory_space<vmem>>[vector<16xi32>], vector<16xf32>,
      %div3A_314 = arith.divf %get3A_305, %select_n3A_92 : vector<16xf32>
      %sub3A_315 = arith.constant 1.000000e+00 : f32
      %sub3A_316 = vector.broadcast %sub3A_315 : f32 to vector<16xf32>
      %sub3A_317 = arith.subf %sub3A_316, %div3A_314 : vector<16xf32>
      %max3A_318 = arith.constant 0.000000e+00 : f32
      %max3A_319 = vector.broadcast %max3A_318 : f32 to vector<16xf32>
      %max3A_320 = arith.maximumf %sub3A_317, %max3A_319 : vector<16xf32>
      %mul3A_321 = arith.mulf %max3A_320, %max3A_320 : vector<16xf32>
      %mul3A_322 = arith.mulf %mul3A_321, %mul3A_321 : vector<16xf32>
      %sub3A_323 = arith.subf %gather3A_308, %get3A_73 : vector<16xf32>
      %sub3A_324 = arith.subf %gather3A_309, %get3A_75 : vector<16xf32>
      %sub3A_325 = arith.subf %gather3A_310, %get3A_77 : vector<16xf32>
      %mul3A_326 = arith.mulf %sub3A_323, %sub3A_323 : vector<16xf32>
      %mul3A_327 = arith.mulf %sub3A_324, %sub3A_324 : vector<16xf32>
      %add3A_328 = arith.addf %mul3A_326, %mul3A_327 : vector<16xf32>
      %mul3A_329 = arith.mulf %sub3A_325, %sub3A_325 : vector<16xf32>
      %add3A_330 = arith.addf %add3A_328, %mul3A_329 : vector<16xf32>
      %neg3A_331 = arith.constant 0.000000e+00 : f32
      %neg3A_332 = vector.broadcast %neg3A_331 : f32 to vector<16xf32>
      %neg3A_333 = arith.subf %neg3A_332, %add3A_330 : vector<16xf32>
      %mul3A_334 = arith.constant 1.77777779 : f32
      %mul3A_335 = vector.broadcast %mul3A_334 : f32 to vector<16xf32>
      %mul3A_336 = arith.mulf %neg3A_333, %mul3A_335 : vector<16xf32>
      %exp3A_337 = math.exp %mul3A_336 : vector<16xf32>
      %sub3A_338 = arith.subf %gather3A_311, %get3A_79 : vector<16xf32>
      %sub3A_339 = arith.subf %gather3A_312, %get3A_81 : vector<16xf32>
      %sub3A_340 = arith.subf %gather3A_313, %get3A_83 : vector<16xf32>
      %mul3A_341 = arith.mulf %sub3A_338, %sub3A_338 : vector<16xf32>
      %mul3A_342 = arith.mulf %sub3A_339, %sub3A_339 : vector<16xf32>
      %add3A_343 = arith.addf %mul3A_341, %mul3A_342 : vector<16xf32>
      %mul3A_344 = arith.mulf %sub3A_340, %sub3A_340 : vector<16xf32>
      %add3A_345 = arith.addf %add3A_343, %mul3A_344 : vector<16xf32>
      %neg3A_346 = arith.constant 0.000000e+00 : f32
      %neg3A_347 = vector.broadcast %neg3A_346 : f32 to vector<16xf32>
      %neg3A_348 = arith.subf %neg3A_347, %add3A_345 : vector<16xf32>
      %mul3A_349 = arith.mulf %neg3A_348, %div3A_101 : vector<16xf32>
      %exp3A_350 = math.exp %mul3A_349 : vector<16xf32>
      %mul3A_351 = arith.mulf %mul3A_322, %exp3A_337 : vector<16xf32>
      %mul3A_352 = arith.mulf %mul3A_351, %exp3A_350 : vector<16xf32>
      %mul3A_353 = arith.mulf %mul3A_352, %get3A_305 : vector<16xf32>
      %add3A_354 = arith.addf %add3A_303, %mul3A_353 : vector<16xf32>
      %swap3A = arith.index_cast %mul3A_72 : i32 to index
      %swap3A_355 = tpu.vector_load %arg29[%swap3A] {strides = array<i32>} : memref<512xf32, #tpu.memory_space<vmem>>, vector<16xf32>,
      tpu.vector_store %arg29[%swap3A], %add3A_354 {strides = array<i32>} : memref<512xf32, #tpu.memory_space<vmem>>, vector<16xf32>,
    }
    %scan3A_69 = arith.constant 32 : i32
    "tpu.region"() ({
      %run_scoped3A = tpu.sem_alloc : memref<!tpu.dma_semaphore, #tpu.memory_space<semaphore_mem>>
      %dma_start3A = tpu.memref_slice %arg6[%mul3A_2] : memref<16384xf32, #tpu.memory_space<hbm>> -> memref<512xf32, #tpu.memory_space<hbm>>
      %dma_start3A_70 = tpu.memref_slice %arg6[%mul3A_2] : memref<16384xf32, #tpu.memory_space<hbm>> -> memref<512xf32, #tpu.memory_space<hbm>>
      tpu.enqueue_dma source(%arg29 : memref<512xf32, #tpu.memory_space<vmem>>) target(%dma_start3A_70 : memref<512xf32, #tpu.memory_space<hbm>>) target_semaphore(%run_scoped3A : memref<!tpu.dma_semaphore, #tpu.memory_space<semaphore_mem>>)
      %dma_wait3A = tpu.memref_slice %arg6[%mul3A_2] : memref<16384xf32, #tpu.memory_space<hbm>> -> memref<512xf32, #tpu.memory_space<hbm>>
      %dma_wait3A_71 = tpu.memref_slice %arg6[%mul3A_2] : memref<16384xf32, #tpu.memory_space<hbm>> -> memref<512xf32, #tpu.memory_space<hbm>>
      tpu.wait_dma2 semaphore(%run_scoped3A : memref<!tpu.dma_semaphore, #tpu.memory_space<semaphore_mem>>) src(%arg29 : memref<512xf32, #tpu.memory_space<vmem>>) dst(%dma_wait3A_71 : memref<512xf32, #tpu.memory_space<hbm>>)
      tpu.yield
    }) : () -> ()
    return
  }
}

module attributes {stable_mosaic.version = 14 : i64} {
  func.func @_knn_tc_body(%arg0: i32, %arg1: i32, %arg2: memref<1x512x3xf32, #tpu.memory_space<vmem>>, %arg3: memref<1x3x4096xf32, #tpu.memory_space<vmem>>, %arg4: memref<1x512x3xf32, #tpu.memory_space<vmem>>, %arg5: memref<1x512x5xf32, #tpu.memory_space<vmem>>, %arg6: memref<1x512x5xi32, #tpu.memory_space<vmem>>, %arg7: memref<1x512x3xf32, #tpu.memory_space<vmem>>) attributes {dimension_semantics = [#tpu.dimension_semantics<arbitrary>, #tpu.dimension_semantics<arbitrary>], iteration_bounds = array<i64: 4, 8>, scalar_prefetch = 0 : i64, scratch_operands = 0 : i64, tpu.core_type = #tpu.core_type<tc>, window_params = [{transform_indices = @transform_0, window_bounds = array<i64: 1, 512, 3>}, {transform_indices = @transform_1, window_bounds = array<i64: 1, 3, 4096>}, {transform_indices = @transform_2, window_bounds = array<i64: 1, 512, 3>}, {transform_indices = @transform_3, window_bounds = array<i64: 1, 512, 5>}, {transform_indices = @transform_4, window_bounds = array<i64: 1, 512, 5>}, {transform_indices = @transform_5, window_bounds = array<i64: 1, 512, 3>}]} {
    %get3A = arith.constant 0 : index
    %get3A_0 = arith.constant 0 : index
    %get3A_1 = arith.constant 0 : index
    %get3A_2 = vector.load %arg2[%get3A, %get3A_0, %get3A_1] : memref<1x512x3xf32, #tpu.memory_space<vmem>>, vector<1x512x3xf32>
    %get3A_3 = vector.shape_cast %get3A_2 : vector<1x512x3xf32> to vector<512x3xf32>
    %slice3A = vector.extract_strided_slice %get3A_3 {offsets = [0, 0], sizes = [512, 1], strides = [1, 1]} : vector<512x3xf32> to vector<512x1xf32>
    %slice3A_4 = vector.extract_strided_slice %get3A_3 {offsets = [0, 1], sizes = [512, 1], strides = [1, 1]} : vector<512x3xf32> to vector<512x1xf32>
    %slice3A_5 = vector.extract_strided_slice %get3A_3 {offsets = [0, 2], sizes = [512, 1], strides = [1, 1]} : vector<512x3xf32> to vector<512x1xf32>
    %get3A_6 = arith.constant 0 : index
    %get3A_7 = arith.constant 0 : index
    %get3A_8 = arith.constant 0 : index
    %get3A_9 = vector.load %arg3[%get3A_6, %get3A_7, %get3A_8] : memref<1x3x4096xf32, #tpu.memory_space<vmem>>, vector<1x3x4096xf32>
    %get3A_10 = vector.shape_cast %get3A_9 : vector<1x3x4096xf32> to vector<3x4096xf32>
    %slice3A_11 = vector.extract_strided_slice %get3A_10 {offsets = [0, 0], sizes = [1, 4096], strides = [1, 1]} : vector<3x4096xf32> to vector<1x4096xf32>
    %slice3A_12 = vector.extract_strided_slice %get3A_10 {offsets = [1, 0], sizes = [1, 4096], strides = [1, 1]} : vector<3x4096xf32> to vector<1x4096xf32>
    %slice3A_13 = vector.extract_strided_slice %get3A_10 {offsets = [2, 0], sizes = [1, 4096], strides = [1, 1]} : vector<3x4096xf32> to vector<1x4096xf32>
    %mul3A = arith.mulf %slice3A, %slice3A : vector<512x1xf32>
    %mul3A_14 = arith.mulf %slice3A_4, %slice3A_4 : vector<512x1xf32>
    %add3A = arith.addf %mul3A, %mul3A_14 : vector<512x1xf32>
    %mul3A_15 = arith.mulf %slice3A_5, %slice3A_5 : vector<512x1xf32>
    %add3A_16 = arith.addf %add3A, %mul3A_15 : vector<512x1xf32>
    %mul3A_17 = arith.mulf %slice3A_11, %slice3A_11 : vector<1x4096xf32>
    %mul3A_18 = arith.mulf %slice3A_12, %slice3A_12 : vector<1x4096xf32>
    %add3A_19 = arith.addf %mul3A_17, %mul3A_18 : vector<1x4096xf32>
    %mul3A_20 = arith.mulf %slice3A_13, %slice3A_13 : vector<1x4096xf32>
    %add3A_21 = arith.addf %add3A_19, %mul3A_20 : vector<1x4096xf32>
    %convert_element_type3A = arith.truncf %get3A_3 : vector<512x3xf32> to vector<512x3xbf16>
    %convert_element_type3A_22 = arith.truncf %get3A_10 : vector<3x4096xf32> to vector<3x4096xbf16>
    %dot_general3A = arith.constant dense<0.000000e+00> : vector<512x4096xf32>
    %dot_general3A_23 = tpu.matmul %convert_element_type3A, %convert_element_type3A_22, %dot_general3A {dimension_numbers = #tpu.dot_dimension_numbers<[1], [0], [0], [1], [0, 0, 1, 1], [], []>, transpose_lhs_hint = false} : vector<512x3xbf16>, vector<3x4096xbf16>, vector<512x4096xf32> -> vector<512x4096xf32>
    %add3A_24 = vector.broadcast %add3A_16 : vector<512x1xf32> to vector<512x4096xf32>
    %add3A_25 = vector.broadcast %add3A_21 : vector<1x4096xf32> to vector<512x4096xf32>
    %add3A_26 = arith.addf %add3A_24, %add3A_25 : vector<512x4096xf32>
    %mul3A_27 = arith.constant 2.000000e+00 : f32
    %mul3A_28 = vector.broadcast %mul3A_27 : f32 to vector<512x4096xf32>
    %mul3A_29 = arith.mulf %mul3A_28, %dot_general3A_23 : vector<512x4096xf32>
    %sub3A = arith.subf %add3A_26, %mul3A_29 : vector<512x4096xf32>
    %max3A = arith.constant 0.000000e+00 : f32
    %max3A_30 = vector.broadcast %max3A : f32 to vector<512x4096xf32>
    %max3A_31 = arith.maximumf %sub3A, %max3A_30 : vector<512x4096xf32>
    %slice3A_32 = vector.extract_strided_slice %max3A_31 {offsets = [0, 0], sizes = [512, 2048], strides = [1, 1]} : vector<512x4096xf32> to vector<512x2048xf32>
    %slice3A_33 = vector.extract_strided_slice %max3A_31 {offsets = [0, 2048], sizes = [512, 2048], strides = [1, 1]} : vector<512x4096xf32> to vector<512x2048xf32>
    %iota3A = tpu.iota {dimensions = array<i32: 1>} : vector<512x2048xi32>
    %convert_element_type3A_34 = arith.sitofp %iota3A : vector<512x2048xi32> to vector<512x2048xf32>
    %add3A_35 = arith.constant 2.048000e+03 : f32
    %add3A_36 = vector.broadcast %add3A_35 : f32 to vector<512x2048xf32>
    %add3A_37 = arith.addf %convert_element_type3A_34, %add3A_36 : vector<512x2048xf32>
    %le3A = arith.cmpf ole, %slice3A_32, %slice3A_33 : vector<512x2048xf32>
    %min3A = arith.minimumf %slice3A_32, %slice3A_33 : vector<512x2048xf32>
    %select_n3A = arith.select %le3A, %convert_element_type3A_34, %add3A_37 : vector<512x2048xi1>, vector<512x2048xf32>
    %max3A_38 = arith.maximumf %slice3A_32, %slice3A_33 : vector<512x2048xf32>
    %select_n3A_39 = arith.select %le3A, %add3A_37, %convert_element_type3A_34 : vector<512x2048xi1>, vector<512x2048xf32>
    %reduce_min3A = arith.constant dense<0x7F800000> : vector<512xf32>
    %reduce_min3A_40 = vector.multi_reduction <minimumf>, %min3A, %reduce_min3A [1] : vector<512x2048xf32> to vector<512xf32>
    %broadcast_in_dim3A = vector.shape_cast %reduce_min3A_40 : vector<512xf32> to vector<512x1xf32>
    %le3A_41 = vector.broadcast %broadcast_in_dim3A : vector<512x1xf32> to vector<512x2048xf32>
    %le3A_42 = arith.cmpf ole, %min3A, %le3A_41 : vector<512x2048xf32>
    %jit3A = arith.constant 8.192000e+03 : f32
    %broadcast_in_dim3A_43 = vector.broadcast %jit3A : f32 to vector<512x2048xf32>
    %select_n3A_44 = arith.select %le3A_42, %select_n3A, %broadcast_in_dim3A_43 : vector<512x2048xi1>, vector<512x2048xf32>
    %reduce_min3A_45 = arith.constant dense<0x7F800000> : vector<512xf32>
    %reduce_min3A_46 = vector.multi_reduction <minimumf>, %select_n3A_44, %reduce_min3A_45 [1] : vector<512x2048xf32> to vector<512xf32>
    %broadcast_in_dim3A_47 = vector.shape_cast %reduce_min3A_46 : vector<512xf32> to vector<512x1xf32>
    %eq3A = vector.broadcast %broadcast_in_dim3A_47 : vector<512x1xf32> to vector<512x2048xf32>
    %eq3A_48 = arith.cmpf oeq, %select_n3A, %eq3A : vector<512x2048xf32>
    %select_n3A_49 = arith.select %eq3A_48, %max3A_38, %min3A : vector<512x2048xi1>, vector<512x2048xf32>
    %select_n3A_50 = arith.select %eq3A_48, %select_n3A_39, %select_n3A : vector<512x2048xi1>, vector<512x2048xf32>
    %jit3A_51 = arith.constant 0x7F800000 : f32
    %broadcast_in_dim3A_52 = vector.broadcast %jit3A_51 : f32 to vector<512x2048xf32>
    %select_n3A_53 = arith.select %eq3A_48, %broadcast_in_dim3A_52, %max3A_38 : vector<512x2048xi1>, vector<512x2048xf32>
    %reduce_min3A_54 = arith.constant dense<0x7F800000> : vector<512xf32>
    %reduce_min3A_55 = vector.multi_reduction <minimumf>, %select_n3A_49, %reduce_min3A_54 [1] : vector<512x2048xf32> to vector<512xf32>
    %broadcast_in_dim3A_56 = vector.shape_cast %reduce_min3A_55 : vector<512xf32> to vector<512x1xf32>
    %le3A_57 = vector.broadcast %broadcast_in_dim3A_56 : vector<512x1xf32> to vector<512x2048xf32>
    %le3A_58 = arith.cmpf ole, %select_n3A_49, %le3A_57 : vector<512x2048xf32>
    %jit3A_59 = arith.constant 8.192000e+03 : f32
    %broadcast_in_dim3A_60 = vector.broadcast %jit3A_59 : f32 to vector<512x2048xf32>
    %select_n3A_61 = arith.select %le3A_58, %select_n3A_50, %broadcast_in_dim3A_60 : vector<512x2048xi1>, vector<512x2048xf32>
    %reduce_min3A_62 = arith.constant dense<0x7F800000> : vector<512xf32>
    %reduce_min3A_63 = vector.multi_reduction <minimumf>, %select_n3A_61, %reduce_min3A_62 [1] : vector<512x2048xf32> to vector<512xf32>
    %broadcast_in_dim3A_64 = vector.shape_cast %reduce_min3A_63 : vector<512xf32> to vector<512x1xf32>
    %swap3A = arith.constant 0 : index
    %swap3A_65 = arith.constant 0 : index
    %swap3A_66 = arith.constant 0 : index
    %swap3A_67 = vector.load %arg5[%swap3A, %swap3A_65, %swap3A_66] : memref<1x512x5xf32, #tpu.memory_space<vmem>>, vector<1x512x1xf32>
    %swap3A_68 = vector.shape_cast %swap3A_67 : vector<1x512x1xf32> to vector<512x1xf32>
    %swap3A_69 = vector.shape_cast %broadcast_in_dim3A_56 : vector<512x1xf32> to vector<1x512x1xf32>
    tpu.vector_store %arg5[%swap3A, %swap3A_65, %swap3A_66], %swap3A_69 {strides = array<i32>} : memref<1x512x5xf32, #tpu.memory_space<vmem>>, vector<1x512x1xf32>,
    %convert_element_type3A_70 = arith.fptosi %broadcast_in_dim3A_64 : vector<512x1xf32> to vector<512x1xi32>
    %swap3A_71 = arith.constant 0 : index
    %swap3A_72 = arith.constant 0 : index
    %swap3A_73 = arith.constant 0 : index
    %swap3A_74 = vector.load %arg6[%swap3A_71, %swap3A_72, %swap3A_73] : memref<1x512x5xi32, #tpu.memory_space<vmem>>, vector<1x512x1xi32>
    %swap3A_75 = vector.shape_cast %swap3A_74 : vector<1x512x1xi32> to vector<512x1xi32>
    %swap3A_76 = vector.shape_cast %convert_element_type3A_70 : vector<512x1xi32> to vector<1x512x1xi32>
    tpu.vector_store %arg6[%swap3A_71, %swap3A_72, %swap3A_73], %swap3A_76 {strides = array<i32>} : memref<1x512x5xi32, #tpu.memory_space<vmem>>, vector<1x512x1xi32>,
    %eq3A_77 = vector.broadcast %broadcast_in_dim3A_64 : vector<512x1xf32> to vector<512x2048xf32>
    %eq3A_78 = arith.cmpf oeq, %select_n3A_50, %eq3A_77 : vector<512x2048xf32>
    %select_n3A_79 = arith.select %eq3A_78, %select_n3A_53, %select_n3A_49 : vector<512x2048xi1>, vector<512x2048xf32>
    %select_n3A_80 = arith.select %eq3A_78, %select_n3A_39, %select_n3A_50 : vector<512x2048xi1>, vector<512x2048xf32>
    %jit3A_81 = arith.constant 0x7F800000 : f32
    %broadcast_in_dim3A_82 = vector.broadcast %jit3A_81 : f32 to vector<512x2048xf32>
    %select_n3A_83 = arith.select %eq3A_78, %broadcast_in_dim3A_82, %select_n3A_53 : vector<512x2048xi1>, vector<512x2048xf32>
    %reduce_min3A_84 = arith.constant dense<0x7F800000> : vector<512xf32>
    %reduce_min3A_85 = vector.multi_reduction <minimumf>, %select_n3A_79, %reduce_min3A_84 [1] : vector<512x2048xf32> to vector<512xf32>
    %broadcast_in_dim3A_86 = vector.shape_cast %reduce_min3A_85 : vector<512xf32> to vector<512x1xf32>
    %le3A_87 = vector.broadcast %broadcast_in_dim3A_86 : vector<512x1xf32> to vector<512x2048xf32>
    %le3A_88 = arith.cmpf ole, %select_n3A_79, %le3A_87 : vector<512x2048xf32>
    %jit3A_89 = arith.constant 8.192000e+03 : f32
    %broadcast_in_dim3A_90 = vector.broadcast %jit3A_89 : f32 to vector<512x2048xf32>
    %select_n3A_91 = arith.select %le3A_88, %select_n3A_80, %broadcast_in_dim3A_90 : vector<512x2048xi1>, vector<512x2048xf32>
    %reduce_min3A_92 = arith.constant dense<0x7F800000> : vector<512xf32>
    %reduce_min3A_93 = vector.multi_reduction <minimumf>, %select_n3A_91, %reduce_min3A_92 [1] : vector<512x2048xf32> to vector<512xf32>
    %broadcast_in_dim3A_94 = vector.shape_cast %reduce_min3A_93 : vector<512xf32> to vector<512x1xf32>
    %swap3A_95 = arith.constant 0 : index
    %swap3A_96 = arith.constant 0 : index
    %swap3A_97 = arith.constant 1 : index
    %swap3A_98 = vector.load %arg5[%swap3A_95, %swap3A_96, %swap3A_97] : memref<1x512x5xf32, #tpu.memory_space<vmem>>, vector<1x512x1xf32>
    %swap3A_99 = vector.shape_cast %swap3A_98 : vector<1x512x1xf32> to vector<512x1xf32>
    %swap3A_100 = vector.shape_cast %broadcast_in_dim3A_86 : vector<512x1xf32> to vector<1x512x1xf32>
    tpu.vector_store %arg5[%swap3A_95, %swap3A_96, %swap3A_97], %swap3A_100 {strides = array<i32>} : memref<1x512x5xf32, #tpu.memory_space<vmem>>, vector<1x512x1xf32>,
    %convert_element_type3A_101 = arith.fptosi %broadcast_in_dim3A_94 : vector<512x1xf32> to vector<512x1xi32>
    %swap3A_102 = arith.constant 0 : index
    %swap3A_103 = arith.constant 0 : index
    %swap3A_104 = arith.constant 1 : index
    %swap3A_105 = vector.load %arg6[%swap3A_102, %swap3A_103, %swap3A_104] : memref<1x512x5xi32, #tpu.memory_space<vmem>>, vector<1x512x1xi32>
    %swap3A_106 = vector.shape_cast %swap3A_105 : vector<1x512x1xi32> to vector<512x1xi32>
    %swap3A_107 = vector.shape_cast %convert_element_type3A_101 : vector<512x1xi32> to vector<1x512x1xi32>
    tpu.vector_store %arg6[%swap3A_102, %swap3A_103, %swap3A_104], %swap3A_107 {strides = array<i32>} : memref<1x512x5xi32, #tpu.memory_space<vmem>>, vector<1x512x1xi32>,
    %eq3A_108 = vector.broadcast %broadcast_in_dim3A_94 : vector<512x1xf32> to vector<512x2048xf32>
    %eq3A_109 = arith.cmpf oeq, %select_n3A_80, %eq3A_108 : vector<512x2048xf32>
    %select_n3A_110 = arith.select %eq3A_109, %select_n3A_83, %select_n3A_79 : vector<512x2048xi1>, vector<512x2048xf32>
    %select_n3A_111 = arith.select %eq3A_109, %select_n3A_39, %select_n3A_80 : vector<512x2048xi1>, vector<512x2048xf32>
    %jit3A_112 = arith.constant 0x7F800000 : f32
    %broadcast_in_dim3A_113 = vector.broadcast %jit3A_112 : f32 to vector<512x2048xf32>
    %select_n3A_114 = arith.select %eq3A_109, %broadcast_in_dim3A_113, %select_n3A_83 : vector<512x2048xi1>, vector<512x2048xf32>
    %reduce_min3A_115 = arith.constant dense<0x7F800000> : vector<512xf32>
    %reduce_min3A_116 = vector.multi_reduction <minimumf>, %select_n3A_110, %reduce_min3A_115 [1] : vector<512x2048xf32> to vector<512xf32>
    %broadcast_in_dim3A_117 = vector.shape_cast %reduce_min3A_116 : vector<512xf32> to vector<512x1xf32>
    %le3A_118 = vector.broadcast %broadcast_in_dim3A_117 : vector<512x1xf32> to vector<512x2048xf32>
    %le3A_119 = arith.cmpf ole, %select_n3A_110, %le3A_118 : vector<512x2048xf32>
    %jit3A_120 = arith.constant 8.192000e+03 : f32
    %broadcast_in_dim3A_121 = vector.broadcast %jit3A_120 : f32 to vector<512x2048xf32>
    %select_n3A_122 = arith.select %le3A_119, %select_n3A_111, %broadcast_in_dim3A_121 : vector<512x2048xi1>, vector<512x2048xf32>
    %reduce_min3A_123 = arith.constant dense<0x7F800000> : vector<512xf32>
    %reduce_min3A_124 = vector.multi_reduction <minimumf>, %select_n3A_122, %reduce_min3A_123 [1] : vector<512x2048xf32> to vector<512xf32>
    %broadcast_in_dim3A_125 = vector.shape_cast %reduce_min3A_124 : vector<512xf32> to vector<512x1xf32>
    %swap3A_126 = arith.constant 0 : index
    %swap3A_127 = arith.constant 0 : index
    %swap3A_128 = arith.constant 2 : index
    %swap3A_129 = vector.load %arg5[%swap3A_126, %swap3A_127, %swap3A_128] : memref<1x512x5xf32, #tpu.memory_space<vmem>>, vector<1x512x1xf32>
    %swap3A_130 = vector.shape_cast %swap3A_129 : vector<1x512x1xf32> to vector<512x1xf32>
    %swap3A_131 = vector.shape_cast %broadcast_in_dim3A_117 : vector<512x1xf32> to vector<1x512x1xf32>
    tpu.vector_store %arg5[%swap3A_126, %swap3A_127, %swap3A_128], %swap3A_131 {strides = array<i32>} : memref<1x512x5xf32, #tpu.memory_space<vmem>>, vector<1x512x1xf32>,
    %convert_element_type3A_132 = arith.fptosi %broadcast_in_dim3A_125 : vector<512x1xf32> to vector<512x1xi32>
    %swap3A_133 = arith.constant 0 : index
    %swap3A_134 = arith.constant 0 : index
    %swap3A_135 = arith.constant 2 : index
    %swap3A_136 = vector.load %arg6[%swap3A_133, %swap3A_134, %swap3A_135] : memref<1x512x5xi32, #tpu.memory_space<vmem>>, vector<1x512x1xi32>
    %swap3A_137 = vector.shape_cast %swap3A_136 : vector<1x512x1xi32> to vector<512x1xi32>
    %swap3A_138 = vector.shape_cast %convert_element_type3A_132 : vector<512x1xi32> to vector<1x512x1xi32>
    tpu.vector_store %arg6[%swap3A_133, %swap3A_134, %swap3A_135], %swap3A_138 {strides = array<i32>} : memref<1x512x5xi32, #tpu.memory_space<vmem>>, vector<1x512x1xi32>,
    %eq3A_139 = vector.broadcast %broadcast_in_dim3A_125 : vector<512x1xf32> to vector<512x2048xf32>
    %eq3A_140 = arith.cmpf oeq, %select_n3A_111, %eq3A_139 : vector<512x2048xf32>
    %select_n3A_141 = arith.select %eq3A_140, %select_n3A_114, %select_n3A_110 : vector<512x2048xi1>, vector<512x2048xf32>
    %select_n3A_142 = arith.select %eq3A_140, %select_n3A_39, %select_n3A_111 : vector<512x2048xi1>, vector<512x2048xf32>
    %jit3A_143 = arith.constant 0x7F800000 : f32
    %broadcast_in_dim3A_144 = vector.broadcast %jit3A_143 : f32 to vector<512x2048xf32>
    %select_n3A_145 = arith.select %eq3A_140, %broadcast_in_dim3A_144, %select_n3A_114 : vector<512x2048xi1>, vector<512x2048xf32>
    %reduce_min3A_146 = arith.constant dense<0x7F800000> : vector<512xf32>
    %reduce_min3A_147 = vector.multi_reduction <minimumf>, %select_n3A_141, %reduce_min3A_146 [1] : vector<512x2048xf32> to vector<512xf32>
    %broadcast_in_dim3A_148 = vector.shape_cast %reduce_min3A_147 : vector<512xf32> to vector<512x1xf32>
    %le3A_149 = vector.broadcast %broadcast_in_dim3A_148 : vector<512x1xf32> to vector<512x2048xf32>
    %le3A_150 = arith.cmpf ole, %select_n3A_141, %le3A_149 : vector<512x2048xf32>
    %jit3A_151 = arith.constant 8.192000e+03 : f32
    %broadcast_in_dim3A_152 = vector.broadcast %jit3A_151 : f32 to vector<512x2048xf32>
    %select_n3A_153 = arith.select %le3A_150, %select_n3A_142, %broadcast_in_dim3A_152 : vector<512x2048xi1>, vector<512x2048xf32>
    %reduce_min3A_154 = arith.constant dense<0x7F800000> : vector<512xf32>
    %reduce_min3A_155 = vector.multi_reduction <minimumf>, %select_n3A_153, %reduce_min3A_154 [1] : vector<512x2048xf32> to vector<512xf32>
    %broadcast_in_dim3A_156 = vector.shape_cast %reduce_min3A_155 : vector<512xf32> to vector<512x1xf32>
    %swap3A_157 = arith.constant 0 : index
    %swap3A_158 = arith.constant 0 : index
    %swap3A_159 = arith.constant 3 : index
    %swap3A_160 = vector.load %arg5[%swap3A_157, %swap3A_158, %swap3A_159] : memref<1x512x5xf32, #tpu.memory_space<vmem>>, vector<1x512x1xf32>
    %swap3A_161 = vector.shape_cast %swap3A_160 : vector<1x512x1xf32> to vector<512x1xf32>
    %swap3A_162 = vector.shape_cast %broadcast_in_dim3A_148 : vector<512x1xf32> to vector<1x512x1xf32>
    tpu.vector_store %arg5[%swap3A_157, %swap3A_158, %swap3A_159], %swap3A_162 {strides = array<i32>} : memref<1x512x5xf32, #tpu.memory_space<vmem>>, vector<1x512x1xf32>,
    %convert_element_type3A_163 = arith.fptosi %broadcast_in_dim3A_156 : vector<512x1xf32> to vector<512x1xi32>
    %swap3A_164 = arith.constant 0 : index
    %swap3A_165 = arith.constant 0 : index
    %swap3A_166 = arith.constant 3 : index
    %swap3A_167 = vector.load %arg6[%swap3A_164, %swap3A_165, %swap3A_166] : memref<1x512x5xi32, #tpu.memory_space<vmem>>, vector<1x512x1xi32>
    %swap3A_168 = vector.shape_cast %swap3A_167 : vector<1x512x1xi32> to vector<512x1xi32>
    %swap3A_169 = vector.shape_cast %convert_element_type3A_163 : vector<512x1xi32> to vector<1x512x1xi32>
    tpu.vector_store %arg6[%swap3A_164, %swap3A_165, %swap3A_166], %swap3A_169 {strides = array<i32>} : memref<1x512x5xi32, #tpu.memory_space<vmem>>, vector<1x512x1xi32>,
    %eq3A_170 = vector.broadcast %broadcast_in_dim3A_156 : vector<512x1xf32> to vector<512x2048xf32>
    %eq3A_171 = arith.cmpf oeq, %select_n3A_142, %eq3A_170 : vector<512x2048xf32>
    %select_n3A_172 = arith.select %eq3A_171, %select_n3A_145, %select_n3A_141 : vector<512x2048xi1>, vector<512x2048xf32>
    %select_n3A_173 = arith.select %eq3A_171, %select_n3A_39, %select_n3A_142 : vector<512x2048xi1>, vector<512x2048xf32>
    %reduce_min3A_174 = arith.constant dense<0x7F800000> : vector<512xf32>
    %reduce_min3A_175 = vector.multi_reduction <minimumf>, %select_n3A_172, %reduce_min3A_174 [1] : vector<512x2048xf32> to vector<512xf32>
    %broadcast_in_dim3A_176 = vector.shape_cast %reduce_min3A_175 : vector<512xf32> to vector<512x1xf32>
    %le3A_177 = vector.broadcast %broadcast_in_dim3A_176 : vector<512x1xf32> to vector<512x2048xf32>
    %le3A_178 = arith.cmpf ole, %select_n3A_172, %le3A_177 : vector<512x2048xf32>
    %jit3A_179 = arith.constant 8.192000e+03 : f32
    %broadcast_in_dim3A_180 = vector.broadcast %jit3A_179 : f32 to vector<512x2048xf32>
    %select_n3A_181 = arith.select %le3A_178, %select_n3A_173, %broadcast_in_dim3A_180 : vector<512x2048xi1>, vector<512x2048xf32>
    %reduce_min3A_182 = arith.constant dense<0x7F800000> : vector<512xf32>
    %reduce_min3A_183 = vector.multi_reduction <minimumf>, %select_n3A_181, %reduce_min3A_182 [1] : vector<512x2048xf32> to vector<512xf32>
    %broadcast_in_dim3A_184 = vector.shape_cast %reduce_min3A_183 : vector<512xf32> to vector<512x1xf32>
    %swap3A_185 = arith.constant 0 : index
    %swap3A_186 = arith.constant 0 : index
    %swap3A_187 = arith.constant 4 : index
    %swap3A_188 = vector.load %arg5[%swap3A_185, %swap3A_186, %swap3A_187] : memref<1x512x5xf32, #tpu.memory_space<vmem>>, vector<1x512x1xf32>
    %swap3A_189 = vector.shape_cast %swap3A_188 : vector<1x512x1xf32> to vector<512x1xf32>
    %swap3A_190 = vector.shape_cast %broadcast_in_dim3A_176 : vector<512x1xf32> to vector<1x512x1xf32>
    tpu.vector_store %arg5[%swap3A_185, %swap3A_186, %swap3A_187], %swap3A_190 {strides = array<i32>} : memref<1x512x5xf32, #tpu.memory_space<vmem>>, vector<1x512x1xf32>,
    %convert_element_type3A_191 = arith.fptosi %broadcast_in_dim3A_184 : vector<512x1xf32> to vector<512x1xi32>
    %swap3A_192 = arith.constant 0 : index
    %swap3A_193 = arith.constant 0 : index
    %swap3A_194 = arith.constant 4 : index
    %swap3A_195 = vector.load %arg6[%swap3A_192, %swap3A_193, %swap3A_194] : memref<1x512x5xi32, #tpu.memory_space<vmem>>, vector<1x512x1xi32>
    %swap3A_196 = vector.shape_cast %swap3A_195 : vector<1x512x1xi32> to vector<512x1xi32>
    %swap3A_197 = vector.shape_cast %convert_element_type3A_191 : vector<512x1xi32> to vector<1x512x1xi32>
    tpu.vector_store %arg6[%swap3A_192, %swap3A_193, %swap3A_194], %swap3A_197 {strides = array<i32>} : memref<1x512x5xi32, #tpu.memory_space<vmem>>, vector<1x512x1xi32>,
    %get3A_198 = arith.constant 0 : index
    %get3A_199 = arith.constant 0 : index
    %get3A_200 = arith.constant 0 : index
    %get3A_201 = vector.load %arg4[%get3A_198, %get3A_199, %get3A_200] : memref<1x512x3xf32, #tpu.memory_space<vmem>>, vector<1x512x3xf32>
    %get3A_202 = vector.shape_cast %get3A_201 : vector<1x512x3xf32> to vector<512x3xf32>
    %mul3A_203 = arith.mulf %get3A_202, %get3A_202 : vector<512x3xf32>
    %reduce_sum3A = arith.constant dense<0.000000e+00> : vector<512xf32>
    %reduce_sum3A_204 = vector.multi_reduction <add>, %mul3A_203, %reduce_sum3A [1] : vector<512x3xf32> to vector<512xf32>
    %broadcast_in_dim3A_205 = vector.shape_cast %reduce_sum3A_204 : vector<512xf32> to vector<512x1xf32>
    %sqrt3A = math.sqrt %broadcast_in_dim3A_205 : vector<512x1xf32>
    %lt3A = arith.constant 1.000000e-10 : f32
    %lt3A_206 = vector.broadcast %lt3A : f32 to vector<512x1xf32>
    %lt3A_207 = arith.cmpf olt, %sqrt3A, %lt3A_206 : vector<512x1xf32>
    %jit3A_208 = arith.constant 1.000000e-10 : f32
    %broadcast_in_dim3A_209 = vector.broadcast %jit3A_208 : f32 to vector<512x1xf32>
    %select_n3A_210 = arith.select %lt3A_207, %broadcast_in_dim3A_209, %sqrt3A : vector<512x1xi1>, vector<512x1xf32>
    %div3A = arith.constant 1.000000e+00 : f32
    %div3A_211 = vector.broadcast %div3A : f32 to vector<512x1xf32>
    %div3A_212 = arith.divf %div3A_211, %select_n3A_210 : vector<512x1xf32>
    %mul3A_213 = vector.broadcast %div3A_212 : vector<512x1xf32> to vector<512x3xf32>
    %mul3A_214 = arith.mulf %get3A_202, %mul3A_213 : vector<512x3xf32>
    %swap3A_215 = arith.constant 0 : index
    %swap3A_216 = arith.constant 0 : index
    %swap3A_217 = arith.constant 0 : index
    %swap3A_218 = vector.load %arg7[%swap3A_215, %swap3A_216, %swap3A_217] : memref<1x512x3xf32, #tpu.memory_space<vmem>>, vector<1x512x3xf32>
    %swap3A_219 = vector.shape_cast %swap3A_218 : vector<1x512x3xf32> to vector<512x3xf32>
    %swap3A_220 = vector.shape_cast %mul3A_214 : vector<512x3xf32> to vector<1x512x3xf32>
    tpu.vector_store %arg7[%swap3A_215, %swap3A_216, %swap3A_217], %swap3A_220 {strides = array<i32>} : memref<1x512x3xf32, #tpu.memory_space<vmem>>, vector<1x512x3xf32>,
    return
  }
  func.func @transform_0(%arg0: i32, %arg1: i32) -> (i32, i32, i32) {
    %c0_i32 = arith.constant 0 : i32
    %c0_i32_0 = arith.constant 0 : i32
    return %arg0, %arg1, %c0_i32 : i32, i32, i32
  }
  func.func @transform_1(%arg0: i32, %arg1: i32) -> (i32, i32, i32) {
    %c0_i32 = arith.constant 0 : i32
    %c0_i32_0 = arith.constant 0 : i32
    %c0_i32_1 = arith.constant 0 : i32
    return %arg0, %c0_i32, %c0_i32_0 : i32, i32, i32
  }
  func.func @transform_2(%arg0: i32, %arg1: i32) -> (i32, i32, i32) {
    %c0_i32 = arith.constant 0 : i32
    %c0_i32_0 = arith.constant 0 : i32
    return %arg0, %arg1, %c0_i32 : i32, i32, i32
  }
  func.func @transform_3(%arg0: i32, %arg1: i32) -> (i32, i32, i32) {
    %c0_i32 = arith.constant 0 : i32
    %c0_i32_0 = arith.constant 0 : i32
    return %arg0, %arg1, %c0_i32 : i32, i32, i32
  }
  func.func @transform_4(%arg0: i32, %arg1: i32) -> (i32, i32, i32) {
    %c0_i32 = arith.constant 0 : i32
    %c0_i32_0 = arith.constant 0 : i32
    return %arg0, %arg1, %c0_i32 : i32, i32, i32
  }
  func.func @transform_5(%arg0: i32, %arg1: i32) -> (i32, i32, i32) {
    %c0_i32 = arith.constant 0 : i32
    %c0_i32_0 = arith.constant 0 : i32
    return %arg0, %arg1, %c0_i32 : i32, i32, i32
  }
}

</mosaic_0001>

<sc_bundles>
// kernel: kernel.4.cloned.1.call-start
scs
__scs_entry_jumppad:
0x0: {  	(pc) =	sbr.rel $0x88, $3  }
0x1: {  	(tag) =	ssettag $0x0;
	lr =	simm.s32 $0x1  }
0x2: {  	[smem:$0x3F9F] =	sst lr;
	_ =	strace $0xD0000000  }
0x3: {  	_ = 	snop  }
0x4: {  	_ = 	snop  }
0x5: {  	_ = 	snop  }
0x6: {  	_ = 	snop  }
0x7: {  	_ = 	snop  }
__scs_overlays_trampoline_lowered:
0x8: {  	[smem:$0x3FAE] =	sst s0  }
0x9: {  	[smem:$0x3FAF] =	sst s1  }
0xa: {  	[smem:$0x3FB0] =	sst s2  }
0xb: {  	[smem:$0x3FB1] =	sst s3  }
0xc: {  	[smem:$0x3FB2] =	sst s4  }
0xd: {  	[smem:$0x3FB3] =	sst s5  }
0xe: {  	[smem:$0x3FB4] =	sst s6  }
0xf: {  	[smem:$0x3FB5] =	sst s7  }
0x10: {  	[smem:$0x3FB6] =	sst s8  }
0x11: {  	[smem:$0x3FB7] =	sst s9;
	s0 =	simm.s32 @!p0 $0x0  }
0x12: {  	s1 =	sld [smem:$0x3F9D];
	s0 =	simm.s32 @p0 $0x1  }
0x13: {  	[smem:$0x3FB8] =	sst s0;
	s0 =	simm.s32 @!p1 $0x0  }
0x14: {  	s2 =	sld [smem:$0x3F9C];
	s0 =	simm.s32 @p1 $0x1  }
0x15: {  	[smem:$0x3FB9] =	sst s0;
	s0 =	simm.s32 @!p2 $0x0  }
0x16: {  	s3 =	sld [smem:$0x3FDB];
	s0 =	simm.s32 @p2 $0x1  }
0x17: {  	s4 =	simm.s32 $0x1BF5;
	[smem:$0x3FBB] =	sst s0  }
0x18: {  	s0 =	sld [smem:$0x3F9E];
	_ =	swait.ge [sflag:s4], $0x0  }
0x19: {  	s7 =	sld [smem:$0x3F9F]  }
0x1a: {  	s8 =	sadd.s32 $0xFFFFE003, lr  }
0x1b: {  	s9 =	sadd.s32 $0xFFFFFEF7, lr;
	s5 =	simm.s32 $0xFFFFFFFF;
	p2 =	slt.u32 s8, $0xFFFFF086  }
0x1c: {  	p1 =	slt.u32 s9, $0xF7A;
	s5 =	simm.s32 @!p2 $0x0  }
0x1d: {  	s5 =	simm.s32 @p1 $0x1;
	p0 =	seq.s32 s7, s2  }
0x1e: {  	s7 =	smul.u32 @!p0 $0xF7A, s2;
	p2 =	seq.s32 @!p0 s5, $0x0  }
0x1f: {  	s9 =	smul.u32 $0xF7A, s1;
	s8 =	simm.s32 @!p0 $0x1BF5;
	p2 =	por !p2, p0  }
0x20: {  	[sflag:s8] =	ssyncset.s32 @!p0 $0xFFFFF086;
	s6 =	sadd.s32 @!p0 s3, s7;
	s7 =	simm.s32 @!p0 $0x108  }
0x21: {  	s3 =	sadd.s32 s3, s9;
	s6 =	sadd.s32 @!p0 $0x88, s6;
	s7 =	simm.s32 @p2 $0x1082  }
0x22: {  	[simem:s7], [sflag:s8] =	dma.local @!p0 [hbm:s6], $0xF7A  }
0x23: {  	s9 =	sor.u32 $0xD0000000, s2;
	s6 =	simm.s32 $0x108;
	_ =	swait.ge @!p0 [sflag:s8], $0x0  }
0x24: {  	s3 =	sadd.s32 $0x88, s3;
	s6 =	simm.s32 @!p1 $0x1082;
	[sflag:s4] =	ssyncset.s32 $0xFFFFF086  }
0x25: {  	[simem:s6], [sflag:s4] =	dma.local [hbm:s3], $0xF7A  }
0x26: {  	[smem:$0x3F9F] =	sst s1;
	(tag) =	ssettag s2;
	_ =	strace s9  }
0x27: {  	s1 =	sld [smem:$0x3FAF]  }
0x28: {  	s2 =	sld [smem:$0x3FB0]  }
0x29: {  	s4 =	sld [smem:$0x3FB2]  }
0x2a: {  	p0 =	seq.s32 s5, $0x0;
	s5 =	sld [smem:$0x3FB3]  }
0x2b: {  	s6 =	sld [smem:$0x3FB4]  }
0x2c: {  	s7 =	sld [smem:$0x3FB5]  }
0x2d: {  	s3 =	simm.s32 $0x108;
	s8 =	sld [smem:$0x3FB6]  }
0x2e: {  	s3 =	simm.s32 @!p0 $0x1082;
	s9 =	sld [smem:$0x3FB7]  }
0x2f: {  	lr =	sadd.s32 s0, s3;
	s0 =	sld [smem:$0x3FAE]  }
0x30: {  	s3 =	sld [smem:$0x3FB1]  }
0x31: {  	[smem:$0x3FBA] =	sst s10  }
0x32: {  	s10 =	sld [smem:$0x3FB8];
	_ =	sdelay $0x3  }
0x33: {  	p0 =	seq.s32 s10, $0x1;
	s10 =	sld [smem:$0x3FBA];
	_ =	sdelay $0x3  }
0x34: {  	[smem:$0x3FBA] =	sst s10  }
0x35: {  	s10 =	sld [smem:$0x3FB9];
	_ =	sdelay $0x3  }
0x36: {  	p1 =	seq.s32 s10, $0x1;
	s10 =	sld [smem:$0x3FBA];
	_ =	sdelay $0x3  }
0x37: {  	[smem:$0x3FBA] =	sst s10  }
0x38: {  	s10 =	sld [smem:$0x3FBB]  }
0x39: {  	_ = 	snop;
	(pc) =	sbr.ind lr, $3  }
0x3a: {  	_ = 	snop  }
0x3b: {  	_ = 	snop  }
0x3c: {  	p2 =	seq.s32 s10, $0x1;
	s10 =	sld [smem:$0x3FBA]  }
0x3d: {  	_ =	shalt  }
0x3e: {  	_ =	shalt  }
0x3f: {  	_ =	shalt  }
0x40: {  	_ =	shalt  }
0x41: {  	_ =	shalt  }
0x42: {  	_ =	shalt  }
0x43: {  	_ =	shalt  }
0x44: {  	_ =	shalt  }
0x45: {  	_ =	shalt  }
0x46: {  	_ =	shalt  }
0x47: {  	_ =	shalt  }
0x48: {  	_ =	shalt  }
0x49: {  	_ =	shalt  }
0x4a: {  	_ =	shalt  }
0x4b: {  	_ =	shalt  }
0x4c: {  	_ =	shalt  }
0x4d: {  	_ =	shalt  }
0x4e: {  	_ =	shalt  }
0x4f: {  	_ =	shalt  }
0x50: {  	_ =	shalt  }
0x51: {  	_ =	shalt  }
0x52: {  	_ =	shalt  }
0x53: {  	_ =	shalt  }
0x54: {  	_ =	shalt  }
0x55: {  	_ =	shalt  }
0x56: {  	_ =	shalt  }
0x57: {  	_ =	shalt  }
0x58: {  	_ =	shalt  }
0x59: {  	_ =	shalt  }
0x5a: {  	_ =	shalt  }
0x5b: {  	_ =	shalt  }
0x5c: {  	_ =	shalt  }
0x5d: {  	_ =	shalt  }
0x5e: {  	_ =	shalt  }
0x5f: {  	_ =	shalt  }
0x60: {  	_ =	shalt  }
0x61: {  	_ =	shalt  }
0x62: {  	_ =	shalt  }
0x63: {  	_ =	shalt  }
0x64: {  	_ =	shalt  }
0x65: {  	_ =	shalt  }
0x66: {  	_ =	shalt  }
0x67: {  	_ =	shalt  }
0x68: {  	_ =	shalt  }
0x69: {  	_ =	shalt  }
0x6a: {  	_ =	shalt  }
0x6b: {  	_ =	shalt  }
0x6c: {  	_ =	shalt  }
0x6d: {  	_ =	shalt  }
0x6e: {  	_ =	shalt  }
0x6f: {  	_ =	shalt  }
0x70: {  	_ =	shalt  }
0x71: {  	_ =	shalt  }
0x72: {  	_ =	shalt  }
0x73: {  	_ =	shalt  }
0x74: {  	_ =	shalt  }
0x75: {  	_ =	shalt  }
0x76: {  	_ =	shalt  }
0x77: {  	_ =	shalt  }
0x78: {  	_ =	shalt  }
0x79: {  	_ =	shalt  }
0x7a: {  	_ =	shalt  }
0x7b: {  	_ =	shalt  }
0x7c: {  	_ =	shalt  }
0x7d: {  	_ =	shalt  }
0x7e: {  	_ =	shalt  }
0x7f: {  	_ =	shalt  }
0x80: {  	_ =	shalt  }
0x81: {  	_ =	shalt  }
0x82: {  	_ =	shalt  }
0x83: {  	_ =	shalt  }
0x84: {  	_ =	shalt  }
0x85: {  	_ =	shalt  }
0x86: {  	_ =	shalt  }
0x87: {  	_ =	shalt  }
.Lfunc_end0:
.L_simem_size_0:
called_computation_lowered:
.L_overlay_start_0:
0x88: {  	s2 =	sld [smem:$0x3FD9]  }
0x89: {  	s3 =	sld [smem:$0x3FFE];
	_ =	sdelay $0x1  }
0x8a: {  	s1 =	srdreg.scid  }
0x8b: {  	s0 =	sand.u32 $0x1, s1  }
0x8c: {  	s16 =	sshll.u32 s0, $0xA;
	s2 =	sadd.s32 s3, s2  }
0x8d: {  	s2 =	sadd.s32 s2, s16  }
0x8e: {  	[smem:$0x3FC6] =	sst s2  }
0x8f: {  	_ = 	snop  }
0x90: {  	(tm) =	ssettm $0x1  }
0x91: {  	s17 =	sld [smem:$0x3FFB];
	_ =	sdelay $0x3  }
0x92: {  	_ =	strace s17  }
0x93: {  	s2 =	sld [smem:$0x3FFC];
	_ =	sdelay $0x3  }
0x94: {  	_ =	strace s2  }
0x95: {  	s2 =	sld [smem:$0x3FFD];
	_ =	sdelay $0x3  }
0x96: {  	_ =	strace s2  }
0x97: {  	_ =	strace $0x8FFFFFFF  }
0x98: {  	s18 =	sld [smem:$0x3FDB];
	_ =	sdelay $0x1  }
0x99: {  	s19 =	simm.s32 $_scs_section_size  }
0x9a: {  	s4 =	simm.s32 $_size__tile_overlayer_lowered;
	s5 =	simm.s32 $_tile_overlayer_lowered  }
0x9b: {  	s22 =	simm.s32 $0x1BFF;
	s21 =	sshll.u32 s5, $0x1;
	s2 =	sadd.s32 s19, s18  }
0x9c: {  	s6 =	simm.s32 $0x0;
	s20 =	sshll.u32 s4, $0x1;
	s4 =	sadd.s32 s21, s2  }
0x9d: {  	[timem:s6], [sflag:s22] =	dma.local [hbm:s4], s20  }
0x9e: {  	_ =	swait.ge [sflag:s22], s20  }
0x9f: {  	s3 =	ssub.s32 $0x0, s20;
	[sflag:s22] =	ssyncset.done $0x0  }
0xa0: {  	[sflag:s22] =	ssyncadd.s32 s3;
	_ =	sdelay $0x1  }
0xa1: {  	s23 =	simm.s32 $0x1B8B  }
0xa2: {  	_ =	swait.ge [sflag:s23], $0x1  }
0xa3: {  	[sflag:s23] =	ssyncset.done $0x0  }
0xa4: {  	s25 =	simm.s32 $0x1B8E;
	s24 =	sld [smem:$0x3FFE];
	[sflag:s23] =	ssyncadd.s32 $0xFFFFFFFF  }
0xa5: {  	s26 =	simm.s32 $execute0_lowered;
	[smem:$0x3FD2] =	sst s25  }
0xa6: {  	s4 =	sshll.u32 s26, $0x1;
	_ =	strace $0x80000046;
	[dreg:$0x1] =	wrdreg $0xFFFFFFFF  }
0xa7: {  	s28 =	simm.s32 $_size_execute0_lowered;
	s2 =	sadd.s32 s2, s4;
	[dreg:$0x0] =	wrdreg $0x0  }
0xa8: {  	s4 =	sshll.u32 s28, $0x1;
	[dreg:$0x2] =	wrdreg s2  }
0xa9: {  	[dreg:$0x3] =	wrdreg s4  }
0xaa: {  	[dreg:$0x4] =	wrdreg $0xC0  }
0xab: {  	_ =	task [dreg:s6], $0x5FFFF  }
0xac: {  	[dreg:$0x1] =	wrdreg $0xFFFFFFFF  }
0xad: {  	[dreg:$0x0] =	wrdreg $0x60  }
0xae: {  	[dreg:$0x2] =	wrdreg s24  }
0xaf: {  	[dreg:$0x3] =	wrdreg $0x9  }
0xb0: {  	_ =	task.clear_ibuf [dreg:s6], $0x4FFFF;
	_ =	strace $0x90000046  }
0xb1: {  	s29 =	simm.s32 $0x9;
	_ =	strace $0x80000048  }
0xb2: {  	_ =	swait.ge [sflag:s29], $0x1  }
0xb3: {  	[sflag:s29] =	ssyncadd.s32 $0xFFFFFFFF  }
0xb4: {  	_ =	strace $0x90000048  }
0xb5: {  	_ =	sfence  }
0xb6: {  	s30 =	sld [smem:$0x0];
	_ =	sdelay $0x2  }
0xb7: {  	s31 =	sshll.u32 s1, $0xD;
	s1 =	sshrl.u32 s1, $0x2  }
0xb8: {  	s3 =	sand.u32 $0x4000, s31;
	s1 =	sadd.s32 s1, s30  }
0xb9: {  	s0 =	sor.u32 s3, s0;
	s1 =	sshll.u32 s1, $0x11  }
0xba: {  	s0 =	sor.u32 s1, s0  }
0xbb: {  	s0 =	sadd.s32 $0x8F2B, s0  }
0xbc: {  	[sflag:s0] =	ssyncadd.remote.s32 $0x1  }
0xbd: {  	_ =	sfence.sel $0xFFFF  }
0xbe: {  	[dreg:$0x0] =	wrdreg $0xFFFFFFFF;
	(pc) =	sbr.abs _section_cstart, $3  }
0xbf: {  	[dreg:$0x1] =	wrdreg $0xFFFFFFFF  }
0xc0: {  	_ =	task.clear_ibuf [dreg:s6], $0x2FFFF;
	_ =	strace $0x9FFFFFFF  }
0xc1: {  	(tm) =	ssettm $0x7FFFFFFF  }
tec
execute0_lowered:
.L_overlay_start_1:
0x0: {  	(tag) =	ssettag $0x1  }
0x1: {  	s1 =	rddreg [dreg:$0x0];
	s0 =	simm.s32 $0x0;
	s3 =	srdreg.scid  }
0x2: {  	s6 =	stileid.u32;
	s28 =	simm.s32 $0x1;
	s30 =	simm.s32 $0x3000  }
0x3: {  	s29 =	simm.s32 $0x4000;
	s31 =	simm.s32 $0x5000;
	[smem:$0x7FF] =	sst s0  }
0x4: {  	s2 =	sadd.s32 $0xE00, s1;
	s4 =	sadd.s32 $0x3600, s1;
	s3 =	sand.u32 $0x1, s3  }
0x5: {  	s5 =	sadd.s32 $0x5E00, s1;
	s6 =	sshll.u32 s6, $0x7;
	s13 =	sadd.s32 $0x7600, s1  }
0x6: {  	s7 =	sshll.u32 s3, $0x6;
	s3 =	ssub.s32 $0x2, s3;
	s9 =	sand.u32 $0x600, s6  }
0x7: {  	s19 =	sor.u32 s7, s6;
	s21 =	sshrl.u32 s3, $0x1;
	s6 =	sadd.s32 s5, s9  }
0x8: {  	s23 =	sadd.s32 s13, s9;
	s8 =	sor.u32 $0x800, s9;
	s12 =	sor.u32 $0x1000, s9  }
0x9: {  	s1 =	sadd.s32 s19, s1;
	s3 =	ssub.s32 s3, s21;
	[dreg:$0x2] =	wrdreg s6  }
0xa: {  	s22 =	sadd.s32 s5, s19;
	[dreg:$0x4] =	wrdreg s23;
	s16 =	sor.u32 $0x800, s19  }
0xb: {  	s24 =	sadd.s32 s13, s19;
	s6 =	sadd.s32 s5, s8;
	s8 =	sadd.s32 s13, s8  }
0xc: {  	s18 =	sor.u32 $0x1000, s19;
	s10 =	sadd.s32 s5, s12;
	s12 =	sadd.s32 s13, s12  }
0xd: {  	s14 =	sadd.s32 s2, s19;
	s25 =	sor.u32 $0x1800, s19;
	[dreg:$0x3] =	wrdreg s22  }
0xe: {  	s26 =	sor.u32 $0x2000, s19;
	[dreg:$0x5] =	wrdreg s24;
	s7 =	sadd.s32 s5, s16  }
0xf: {  	s9 =	sadd.s32 s13, s16;
	s11 =	sadd.s32 s5, s18;
	s13 =	sadd.s32 s13, s18  }
0x10: {  	s15 =	sadd.s32 s2, s16;
	s16 =	sadd.s32 s4, s16;
	s17 =	sadd.s32 s2, s18  }
0x11: {  	s18 =	sadd.s32 s4, s18;
	s20 =	sadd.s32 s2, s25;
	s21 =	sadd.s32 s4, s25  }
0x12: {  	s22 =	sadd.s32 s4, s19;
	s23 =	sadd.s32 s2, s26;
	s24 =	sadd.s32 s4, s26  }
0x13: {  	s25 =	sadd.s32 $0x8E00, s1;
	s26 =	smax.u32 s3, $0x1;
	s19 =	simm.s32 $0x1000  }
0x14: {  	s1 =	simm.s32 $0x2000;
	s2 =	simm.s32 $0x0;
	_ =	strace $0x80000047  }
.LBB2_1:
0x15: {  	s3 =	rddreg [dreg:$0x2]  }
0x16: {  	[tilespmem:s0], [sflag:$0x1] =	stream.linear.gather [hbm4b:s3+s0], $0x1000, $0x38;
	[tilespmem:$0x8200] =	vst v63  }
0x17: {  	_ =	swait.ge [sflag:s28], $0x1000  }
0x18: {  	[sflag:s28] =	ssyncset.done $0x0  }
0x19: {  	s4 =	simm.s32 $0x6000;
	s5 =	rddreg [dreg:$0x3];
	[sflag:s28] =	ssyncadd.s32 $0xFFFFF000  }
0x1a: {  	[tilespmem:s4], [sflag:$0x1] =	stream.linear.gather [hbm4b:s5+s0], $0x200, $0x38;
	[tilespmem:$0x8200] =	vst v63  }
0x1b: {  	_ =	swait.ge [sflag:s28], $0x200  }
0x1c: {  	[sflag:s28] =	ssyncset.done $0x0  }
0x1d: {  	s5 =	rddreg [dreg:$0x4];
	[sflag:s28] =	ssyncadd.s32 $0xFFFFFE00  }
0x1e: {  	[tilespmem:s30], [sflag:$0x1] =	stream.linear.gather [hbm4b:s5+s0], $0x1000, $0x38;
	[tilespmem:$0x8200] =	vst v63  }
0x1f: {  	_ =	swait.ge [sflag:s28], $0x1000  }
0x20: {  	[sflag:s28] =	ssyncset.done $0x0  }
0x21: {  	s5 =	simm.s32 $0x6600;
	s4 =	rddreg [dreg:$0x5];
	[sflag:s28] =	ssyncadd.s32 $0xFFFFF000  }
0x22: {  	[tilespmem:s5], [sflag:$0x1] =	stream.linear.gather [hbm4b:s4+s0], $0x200, $0x38;
	[tilespmem:$0x8200] =	vst v63  }
0x23: {  	_ =	swait.ge [sflag:s28], $0x200  }
0x24: {  	[sflag:s28] =	ssyncset.done $0x0  }
0x25: {  	[sflag:s28] =	ssyncadd.s32 $0xFFFFFE00  }
0x26: {  	[tilespmem:s19], [sflag:$0x1] =	stream.linear.gather [hbm4b:s6+s0], $0x1000, $0x38;
	[tilespmem:$0x8200] =	vst v63  }
0x27: {  	_ =	swait.ge [sflag:s28], $0x1000  }
0x28: {  	[sflag:s28] =	ssyncset.done $0x0  }
0x29: {  	s4 =	simm.s32 $0x6200;
	[sflag:s28] =	ssyncadd.s32 $0xFFFFF000  }
0x2a: {  	[tilespmem:s4], [sflag:$0x1] =	stream.linear.gather [hbm4b:s7+s0], $0x200, $0x38;
	[tilespmem:$0x8200] =	vst v63  }
0x2b: {  	_ =	swait.ge [sflag:s28], $0x200  }
0x2c: {  	[sflag:s28] =	ssyncset.done $0x0  }
0x2d: {  	[sflag:s28] =	ssyncadd.s32 $0xFFFFFE00  }
0x2e: {  	[tilespmem:s29], [sflag:$0x1] =	stream.linear.gather [hbm4b:s8+s0], $0x1000, $0x38;
	[tilespmem:$0x8200] =	vst v63  }
0x2f: {  	_ =	swait.ge [sflag:s28], $0x1000  }
0x30: {  	[sflag:s28] =	ssyncset.done $0x0  }
0x31: {  	s5 =	simm.s32 $0x6800;
	[sflag:s28] =	ssyncadd.s32 $0xFFFFF000  }
0x32: {  	[tilespmem:s5], [sflag:$0x1] =	stream.linear.gather [hbm4b:s9+s0], $0x200, $0x38;
	[tilespmem:$0x8200] =	vst v63  }
0x33: {  	_ =	swait.ge [sflag:s28], $0x200  }
0x34: {  	[sflag:s28] =	ssyncset.done $0x0  }
0x35: {  	[sflag:s28] =	ssyncadd.s32 $0xFFFFFE00  }
0x36: {  	[tilespmem:s1], [sflag:$0x1] =	stream.linear.gather [hbm4b:s10+s0], $0x1000, $0x38;
	[tilespmem:$0x8200] =	vst v63  }
0x37: {  	_ =	swait.ge [sflag:s28], $0x1000  }
0x38: {  	[sflag:s28] =	ssyncset.done $0x0  }
0x39: {  	s4 =	simm.s32 $0x6400;
	[sflag:s28] =	ssyncadd.s32 $0xFFFFF000  }
0x3a: {  	[tilespmem:s4], [sflag:$0x1] =	stream.linear.gather [hbm4b:s11+s0], $0x200, $0x38;
	[tilespmem:$0x8200] =	vst v63  }
0x3b: {  	_ =	swait.ge [sflag:s28], $0x200  }
0x3c: {  	[sflag:s28] =	ssyncset.done $0x0  }
0x3d: {  	[sflag:s28] =	ssyncadd.s32 $0xFFFFFE00  }
0x3e: {  	[tilespmem:s31], [sflag:$0x1] =	stream.linear.gather [hbm4b:s12+s0], $0x1000, $0x38;
	[tilespmem:$0x8200] =	vst v63  }
0x3f: {  	_ =	swait.ge [sflag:s28], $0x1000  }
0x40: {  	[sflag:s28] =	ssyncset.done $0x0  }
0x41: {  	s5 =	simm.s32 $0x6A00;
	[sflag:s28] =	ssyncadd.s32 $0xFFFFF000  }
0x42: {  	[tilespmem:s5], [sflag:$0x1] =	stream.linear.gather [hbm4b:s13+s0], $0x200, $0x38;
	[tilespmem:$0x8200] =	vst v63  }
0x43: {  	_ =	swait.ge [sflag:s28], $0x200  }
0x44: {  	[sflag:s28] =	ssyncset.done $0x0  }
0x45: {  	s4 =	simm.s32 $0x6C00;
	[sflag:s28] =	ssyncadd.s32 $0xFFFFFE00  }
0x46: {  	[tilespmem:s4], [sflag:$0x1] =	stream.linear.gather [hbm4b:s14+s0], $0x200, $0x38;
	[tilespmem:$0x8200] =	vst v63  }
0x47: {  	_ =	swait.ge [sflag:s28], $0x200  }
0x48: {  	[sflag:s28] =	ssyncset.done $0x0  }
0x49: {  	s5 =	simm.s32 $0x7600;
	[sflag:s28] =	ssyncadd.s32 $0xFFFFFE00  }
0x4a: {  	[tilespmem:s5], [sflag:$0x1] =	stream.linear.gather [hbm4b:s22+s0], $0x200, $0x38;
	[tilespmem:$0x8200] =	vst v63  }
0x4b: {  	_ =	swait.ge [sflag:s28], $0x200  }
0x4c: {  	[sflag:s28] =	ssyncset.done $0x0  }
0x4d: {  	s4 =	simm.s32 $0x6E00;
	[sflag:s28] =	ssyncadd.s32 $0xFFFFFE00  }
0x4e: {  	[tilespmem:s4], [sflag:$0x1] =	stream.linear.gather [hbm4b:s15+s0], $0x200, $0x38;
	[tilespmem:$0x8200] =	vst v63  }
0x4f: {  	_ =	swait.ge [sflag:s28], $0x200  }
0x50: {  	[sflag:s28] =	ssyncset.done $0x0  }
0x51: {  	s5 =	simm.s32 $0x7800;
	[sflag:s28] =	ssyncadd.s32 $0xFFFFFE00  }
0x52: {  	[tilespmem:s5], [sflag:$0x1] =	stream.linear.gather [hbm4b:s16+s0], $0x200, $0x38;
	[tilespmem:$0x8200] =	vst v63  }
0x53: {  	_ =	swait.ge [sflag:s28], $0x200  }
0x54: {  	[sflag:s28] =	ssyncset.done $0x0  }
0x55: {  	s4 =	simm.s32 $0x7000;
	[sflag:s28] =	ssyncadd.s32 $0xFFFFFE00  }
0x56: {  	[tilespmem:s4], [sflag:$0x1] =	stream.linear.gather [hbm4b:s17+s0], $0x200, $0x38;
	[tilespmem:$0x8200] =	vst v63  }
0x57: {  	_ =	swait.ge [sflag:s28], $0x200  }
0x58: {  	[sflag:s28] =	ssyncset.done $0x0  }
0x59: {  	s5 =	simm.s32 $0x7A00;
	[sflag:s28] =	ssyncadd.s32 $0xFFFFFE00  }
0x5a: {  	[tilespmem:s5], [sflag:$0x1] =	stream.linear.gather [hbm4b:s18+s0], $0x200, $0x38;
	[tilespmem:$0x8200] =	vst v63  }
0x5b: {  	_ =	swait.ge [sflag:s28], $0x200  }
0x5c: {  	[sflag:s28] =	ssyncset.done $0x0  }
0x5d: {  	s4 =	simm.s32 $0x7200;
	[sflag:s28] =	ssyncadd.s32 $0xFFFFFE00  }
0x5e: {  	[tilespmem:s4], [sflag:$0x1] =	stream.linear.gather [hbm4b:s20+s0], $0x200, $0x38;
	[tilespmem:$0x8200] =	vst v63  }
0x5f: {  	_ =	swait.ge [sflag:s28], $0x200  }
0x60: {  	[sflag:s28] =	ssyncset.done $0x0  }
0x61: {  	s5 =	simm.s32 $0x7C00;
	[sflag:s28] =	ssyncadd.s32 $0xFFFFFE00  }
0x62: {  	[tilespmem:s5], [sflag:$0x1] =	stream.linear.gather [hbm4b:s21+s0], $0x200, $0x38;
	[tilespmem:$0x8200] =	vst v63  }
0x63: {  	_ =	swait.ge [sflag:s28], $0x200  }
0x64: {  	[sflag:s28] =	ssyncset.done $0x0  }
0x65: {  	s4 =	simm.s32 $0x7400;
	[sflag:s28] =	ssyncadd.s32 $0xFFFFFE00  }
0x66: {  	[tilespmem:s4], [sflag:$0x1] =	stream.linear.gather [hbm4b:s23+s0], $0x200, $0x38;
	[tilespmem:$0x8200] =	vst v63  }
0x67: {  	_ =	swait.ge [sflag:s28], $0x200  }
0x68: {  	[sflag:s28] =	ssyncset.done $0x0  }
0x69: {  	s5 =	simm.s32 $0x7E00;
	[sflag:s28] =	ssyncadd.s32 $0xFFFFFE00  }
0x6a: {  	[tilespmem:s5], [sflag:$0x1] =	stream.linear.gather [hbm4b:s24+s0], $0x200, $0x38;
	[tilespmem:$0x8200] =	vst v63  }
0x6b: {  	_ =	swait.ge [sflag:s28], $0x200  }
0x6c: {  	[sflag:s28] =	ssyncset.done $0x0  }
0x6d: {  	s3 =	simm.s32 $0x0;
	[sflag:s28] =	ssyncadd.s32 $0xFFFFFE00  }
0x6e: {  	v0 =	vld [tilespmem:s3+$0x7400]  }
0x6f: {  	v1 =	vld [tilespmem:s3+$0x7200]  }
0x70: {  	v2 =	vld [tilespmem:s3+$0x7000]  }
0x71: {  	v3 =	vld [tilespmem:s3+$0x6E00]  }
0x72: {  	v7 =	vld [tilespmem:s3+$0x6A00]  }
0x73: {  	v8 =	vld [tilespmem:s3+$0x7E00]  }
0x74: {  	v4 =	vld [tilespmem:s3+$0x6C00]  }
0x75: {  	v12 =	vld [tilespmem:s3+$0x7C00]  }
0x76: {  	v10 =	vld [tilespmem:s3+$0x6600]  }
0x77: {  	v11 =	vld [tilespmem:s3+$0x6800]  }
0x78: {  	v9 =	vld [tilespmem:s3+$0x6000]  }
0x79: {  	v6 =	vld [tilespmem:s3+$0x6200]  }
0x7a: {  	v13 =	vld [tilespmem:s3+$0x7A00]  }
0x7b: {  	v17 =	vld.idx.msk [tilespmem:v8+s31+$0x0], $0xffff  }
0x7c: {  	v15 =	vmul.f32 $8.000000000e+00, v4;
	v18 =	vld.idx.msk [tilespmem:v8+s29+$0x0], $0xffff  }
0x7d: {  	v19 =	vld.idx.msk [tilespmem:v12+s30+$0x0], $0xffff  }
0x7e: {  	vm0 =	vlt.f32 v15, $1.000000010e-10;
	v20 =	vld.idx.msk [tilespmem:v12+s29+$0x0], $0xffff  }
0x7f: {  	v15 =	vsel vm0, $0x2EDBE6FF, v15;
	v21 =	vld.idx.msk [tilespmem:v12+s31+$0x0], $0xffff  }
0x80: {  	(erf) = vrcp.f32 v15;
	v15 =	vld.idx.msk [tilespmem:v8+s30+$0x0], $0xffff  }
0x81: {  	v28 =	vld.idx.msk [tilespmem:v8+s0+$0x0], $0xffff  }
0x82: {  	v31 =	vld.idx.msk [tilespmem:v8+s19+$0x0], $0xffff  }
0x83: {  	v30 =	vld.idx.msk [tilespmem:v13+s31+$0x0], $0xffff;
	v18 =	vsub.f32 v18, v11  }
0x84: {  	v14 =	vld [tilespmem:s3+$0x7800];
	vm15 =	vlt.f32 v4, $1.000000010e-10;
	v17 =	vsub.f32 v17, v7;
	v19 =	vsub.f32 v19, v10  }
0x85: {  	v5 =	vld [tilespmem:s3+$0x6400];
	v22 =	vsel vm15, $0x2EDBE6FF, v4;
	v20 =	vsub.f32 v20, v11;
	v15 =	vsub.f32 v15, v10  }
0x86: {  	v16 =	vld [tilespmem:s3+$0x7600];
	(erf) = vrcp.f32 v22;
	v21 =	vsub.f32 v21, v7;
	v34 =	vsub.f32 v28, v9  }
0x87: {  	v29 =	vld.idx.msk [tilespmem:v8+s1+$0x0], $0xffff;
	v35 =	vsub.f32 v31, v6;
	v18 =	vmul.f32 v18, v18;
	v15 =	vmul.f32 v15, v15  }
0x88: {  	v24 =	vld.idx.msk [tilespmem:v13+s30+$0x0], $0xffff;
	v30 =	vsub.f32 v30, v7;
	v8 =	vmul.f32 v19, v19;
	v19 =	vmul.f32 v20, v20  }
0x89: {  	v25 =	vld.idx.msk [tilespmem:v13+s29+$0x0], $0xffff;
	v17 =	vmul.f32 v17, v17;
	v21 =	vmul.f32 v21, v21;
	v27 =	vpop (erf);
	v15 =	vadd.f32 v18, v15  }
0x8a: {  	v26 =	vld.idx.msk [tilespmem:v12+s19+$0x0], $0xffff;
	v31 =	vmul.f32 v34, v34;
	v33 =	vadd.f32 v19, v8;
	v23 =	vmul.f32 v0, v27  }
0x8b: {  	v22 =	vld.idx.msk [tilespmem:v12+s1+$0x0], $0xffff;
	v18 =	vmul.f32 v27, v4;
	v20 =	vmul.f32 v3, v27;
	v15 =	vadd.f32 v17, v15  }
0x8c: {  	v28 =	vld.idx.msk [tilespmem:v14+s29+$0x0], $0xffff;
	v8 =	vmul.f32 v1, v27;
	v33 =	vadd.f32 v21, v33;
	v32 =	vsub.f32 $1.000000000e+00, v23  }
0x8d: {  	v23 =	vld.idx.msk [tilespmem:v12+s0+$0x0], $0xffff;
	v19 =	vsub.f32 $1.000000000e+00, v18;
	v18 =	vsub.f32 $1.000000000e+00, v20;
	v12 =	vmul.f32 v2, v27  }
0x8e: {  	v27 =	vld.idx.msk [tilespmem:v14+s30+$0x0], $0xffff;
	v17 =	vsub.f32 $0.0e+00, v15;
	v20 =	vmax.f32 v32, $0.0e+00;
	v32 =	vsub.f32 v29, v5  }
0x8f: {  	s4 =	simm.s32 $0x40;
	v21 =	vmax.f32 v18, $0.0e+00;
	v29 =	vld.idx.msk [tilespmem:v14+s31+$0x0], $0xffff;
	v18 =	vsub.f32 $0.0e+00, v33;
	v33 =	vmul.f32 v35, v35;
	v15 =	vpop (erf)  }
.LBB2_2:
0x90: {  	p0 =	sne.s32 s4, $0x7C0;
	v34 =	vld.idx.msk [tilespmem:v13+s1+$0x0], $0xffff;
	v24 =	vsub.f32 v24, v10;
	v22 =	vsub.f32 v22, v5;
	v32 =	vmul.f32 v32, v32  }
0x91: {  	v25 =	vsub.f32 v25, v11;
	v30 =	vmul.f32 v30, v30;
	v35 =	vld.idx.msk [tilespmem:v16+s31+$0x0], $0xffff;
	v31 =	vadd.f32 v33, v31  }
0x92: {  	v23 =	vsub.f32 v23, v9;
	v26 =	vsub.f32 v26, v6;
	v33 =	vld.idx.msk [tilespmem:v14+s1+$0x0], $0xffff;
	v24 =	vmul.f32 v24, v24  }
0x93: {  	v27 =	vsub.f32 v27, v10;
	v28 =	vsub.f32 v28, v11;
	v25 =	vmul.f32 v25, v25;
	v36 =	vld.idx.msk [tilespmem:v13+s0+$0x0], $0xffff  }
0x94: {  	v23 =	vmul.f32 v23, v23;
	v26 =	vmul.f32 v26, v26;
	v29 =	vsub.f32 v29, v7;
	v37 =	vld.idx.msk [tilespmem:v16+s30+$0x0], $0xffff  }
0x95: {  	v27 =	vmul.f32 v27, v27;
	v28 =	vmul.f32 v28, v28;
	v24 =	vadd.f32 v25, v24;
	v38 =	vld.idx.msk [tilespmem:v16+s29+$0x0], $0xffff  }
0x96: {  	v22 =	vmul.f32 v22, v22;
	v23 =	vadd.f32 v26, v23;
	v26 =	vadd.f32 v32, v31;
	v25 =	vld.idx.msk [tilespmem:v16+s1+$0x0], $0xffff  }
0x97: {  	v27 =	vadd.f32 v28, v27;
	v28 =	vmul.f32 v29, v29;
	v24 =	vadd.f32 v30, v24;
	v31 =	vld.idx.msk [tilespmem:v16+s0+$0x0], $0xffff  }
0x98: {  	v19 =	vmax.f32 v19, $0.0e+00;
	v22 =	vadd.f32 v22, v23;
	v23 =	vsub.f32 $0.0e+00, v26;
	v29 =	vld.idx.msk [tilespmem:v16+s19+$0x0], $0xffff  }
0x99: {  	v27 =	vadd.f32 v28, v27;
	v24 =	vsub.f32 $0.0e+00, v24;
	v16 =	vmul.f32 v20, v20;
	v26 =	vld.idx.msk [tilespmem:v14+s0+$0x0], $0xffff  }
0x9a: {  	v20 =	vmul.f32 v21, v21;
	v21 =	vsub.f32 v34, v5;
	v22 =	vsub.f32 $0.0e+00, v22;
	v14 =	vld.idx.msk [tilespmem:v14+s19+$0x0], $0xffff  }
0x9b: {  	v19 =	vmul.f32 v19, v19;
	v7 =	vsub.f32 v35, v7;
	v27 =	vsub.f32 $0.0e+00, v27;
	v13 =	vld.idx.msk [tilespmem:v13+s19+$0x0], $0xffff  }
0x9c: {  	v17 =	vmul.f32 v17, v15;
	v28 =	vsub.f32 v33, v5;
	v30 =	vsub.f32 v36, v9  }
0x9d: {  	v18 =	vmul.f32 v18, v15;
	v10 =	vsub.f32 v37, v10;
	v11 =	vsub.f32 v38, v11  }
0x9e: {  	v7 =	vmul.f32 v7, v7;
	v31 =	vsub.f32 v31, v9;
	v29 =	vsub.f32 v29, v6  }
0x9f: {  	v5 =	vsub.f32 v25, v5;
	v10 =	vmul.f32 v10, v10;
	v9 =	vsub.f32 v26, v9  }
0xa0: {  	v25 =	vmul.f32 v31, v31;
	v26 =	vmul.f32 v29, v29;
	v14 =	vsub.f32 v14, v6  }
0xa1: {  	v11 =	vmul.f32 v11, v11;
	v5 =	vmul.f32 v5, v5;
	v6 =	vsub.f32 v13, v6  }
0xa2: {  	v9 =	vmul.f32 v9, v9;
	v13 =	vadd.f32 v26, v25;
	v14 =	vmul.f32 v14, v14  }
0xa3: {  	v10 =	vadd.f32 v11, v10;
	v11 =	vmul.f32 v30, v30;
	v6 =	vmul.f32 v6, v6  }
0xa4: {  	v5 =	vadd.f32 v5, v13;
	v9 =	vadd.f32 v14, v9;
	v13 =	vmul.f32 v28, v28  }
0xa5: {  	v7 =	vadd.f32 v7, v10;
	v10 =	vmul.f32 v21, v21;
	v6 =	vadd.f32 v6, v11  }
0xa6: {  	v11 =	vmul.f32 $1.777777790e+00, v23;
	v5 =	vsub.f32 $0.0e+00, v5;
	v9 =	vadd.f32 v13, v9  }
0xa7: {  	v7 =	vsub.f32 $0.0e+00, v7;
	v6 =	vadd.f32 v10, v6;
	v10 =	vmul.f32 v24, v15  }
0xa8: {  	v13 =	vmul.f32 $1.777777790e+00, v22;
	v5 =	vmul.f32 $1.777777790e+00, v5;
	v9 =	vsub.f32 $0.0e+00, v9  }
0xa9: {  	v14 =	vmul.f32 v27, v15;
	v7 =	vmul.f32 v7, v15;
	v6 =	vsub.f32 $0.0e+00, v6  }
0xaa: {  	v5 =	vmul.f32 $1.442695020e+00, v5;
	v9 =	vmul.f32 $1.777777790e+00, v9  }
0xab: {  	v7 =	vmul.f32 $1.442695020e+00, v7;
	v6 =	vmul.f32 $1.777777790e+00, v6  }
0xac: {  	v9 =	vmul.f32 $1.442695020e+00, v9;
	(erf) = vpow2.f32 v5  }
0xad: {  	v5 =	vmul.f32 $1.442695020e+00, v6;
	(erf) = vpow2.f32 v7  }
0xae: {  	v6 =	vmul.f32 $1.442695020e+00, v14;
	(erf) = vpow2.f32 v9  }
0xaf: {  	v7 =	vmul.f32 $1.442695020e+00, v13;
	(erf) = vpow2.f32 v5  }
0xb0: {  	v5 =	vmul.f32 $1.442695020e+00, v10;
	(erf) = vpow2.f32 v6  }
0xb1: {  	v6 =	vmul.f32 $1.442695020e+00, v11;
	(erf) = vpow2.f32 v7  }
0xb2: {  	v9 =	vmul.f32 $1.442695020e+00, v18;
	v7 =	vsub.f32 $1.000000000e+00, v12;
	(erf) = vpow2.f32 v5  }
0xb3: {  	v8 =	vsub.f32 $1.000000000e+00, v8;
	v5 =	vmul.f32 v19, v19;
	(erf) = vpow2.f32 v6  }
0xb4: {  	v6 =	vmax.f32 v7, $0.0e+00;
	v7 =	vmul.f32 $1.442695020e+00, v17;
	(erf) = vpow2.f32 v9  }
0xb5: {  	v13 =	vmul.f32 v20, v20;
	v6 =	vmul.f32 v6, v6;
	v10 =	vpop (erf)  }
0xb6: {  	v11 =	vmax.f32 v8, $0.0e+00;
	v5 =	vmul.f32 v10, v5;
	v10 =	vpop (erf);
	(erf) = vpow2.f32 v7  }
0xb7: {  	s5 =	sshra.s32 s4, $0x2;
	v6 =	vmul.f32 v6, v6;
	v7 =	vmul.f32 v11, v11;
	v8 =	vpop (erf)  }
0xb8: {  	v12 =	vld [tilespmem:s5+$0x7400];
	v5 =	vmul.f32 v10, v5;
	v13 =	vmul.f32 v8, v13;
	v9 =	vpop (erf)  }
0xb9: {  	v7 =	vmul.f32 v7, v7;
	v11 =	vld [tilespmem:s5+$0x7200];
	v6 =	vmul.f32 v9, v6;
	v9 =	vpop (erf)  }
0xba: {  	v10 =	vld [tilespmem:s5+$0x7000];
	v17 =	vmul.f32 v5, v4;
	v5 =	vmul.f32 v9, v13;
	v8 =	vpop (erf)  }
0xbb: {  	v13 =	vmul.f32 v16, v16;
	v9 =	vld [tilespmem:s5+$0x6E00];
	v8 =	vmul.f32 v8, v7;
	v14 =	vpop (erf)  }
0xbc: {  	v7 =	vld [tilespmem:s5+$0x6A00];
	v15 =	vadd.f32 $0.0e+00, v17;
	v3 =	vmul.f32 v5, v3;
	v6 =	vmul.f32 v14, v6;
	v4 =	vpop (erf)  }
0xbd: {  	v5 =	vld [tilespmem:s5+$0x6400];
	v13 =	vmul.f32 v4, v13;
	v14 =	vpop (erf)  }
0xbe: {  	v4 =	vld [tilespmem:s5+$0x6C00];
	v16 =	vadd.f32 v3, v15;
	v6 =	vmul.f32 v6, v2;
	v8 =	vmul.f32 v14, v8  }
0xbf: {  	v15 =	vld [tilespmem:s5+$0x7E00];
	v14 =	vpop (erf);
	v2 =	vmov v10  }
0xc0: {  	v10 =	vld [tilespmem:s5+$0x6600];
	v6 =	vadd.f32 v6, v16;
	v8 =	vmul.f32 v8, v1;
	v13 =	vmul.f32 v14, v13;
	v1 =	vmovc v11  }
0xc1: {  	v3 =	vmov v9;
	v11 =	vld [tilespmem:s5+$0x6800]  }
0xc2: {  	v17 =	vld [tilespmem:s5+$0x7C00];
	v8 =	vadd.f32 v8, v6;
	v13 =	vmul.f32 v13, v0;
	v0 =	vmov v12  }
0xc3: {  	v9 =	vld [tilespmem:s5+$0x6000]  }
0xc4: {  	v12 =	vmul.f32 $8.000000000e+00, v4;
	v6 =	vld [tilespmem:s5+$0x6200];
	v8 =	vadd.f32 v13, v8  }
0xc5: {  	v13 =	vld [tilespmem:s5+$0x7A00]  }
0xc6: {  	vm0 =	vlt.f32 v12, $1.000000010e-10;
	v14 =	vld [tilespmem:s5+$0x7800];
	[tilespmem:s3+$0x8000] =	vst v8;
	s3 =	smov.u32 s5  }
0xc7: {  	v8 =	vsel vm0, $0x2EDBE6FF, v12;
	v12 =	vld.idx.msk [tilespmem:v15+s31+$0x0], $0xffff  }
0xc8: {  	v18 =	vld.idx.msk [tilespmem:v15+s30+$0x0], $0xffff;
	(erf) = vrcp.f32 v8  }
0xc9: {  	v8 =	vld.idx.msk [tilespmem:v15+s29+$0x0], $0xffff  }
0xca: {  	v19 =	vld.idx.msk [tilespmem:v17+s30+$0x0], $0xffff  }
0xcb: {  	v20 =	vld.idx.msk [tilespmem:v17+s29+$0x0], $0xffff  }
0xcc: {  	v21 =	vld.idx.msk [tilespmem:v17+s31+$0x0], $0xffff  }
0xcd: {  	v16 =	vld [tilespmem:s3+$0x7600]  }
0xce: {  	vm0 =	vlt.f32 v4, $1.000000010e-10;
	v18 =	vsub.f32 v18, v10;
	v31 =	vld.idx.msk [tilespmem:v15+s1+$0x0], $0xffff  }
0xcf: {  	v23 =	vsel vm0, $0x2EDBE6FF, v4;
	v8 =	vsub.f32 v8, v11;
	v30 =	vld.idx.msk [tilespmem:v13+s31+$0x0], $0xffff  }
0xd0: {  	v12 =	vsub.f32 v12, v7;
	v18 =	vmul.f32 v18, v18;
	v22 =	vld.idx.msk [tilespmem:v17+s1+$0x0], $0xffff;
	(erf) = vrcp.f32 v23  }
0xd1: {  	v19 =	vsub.f32 v19, v10;
	v20 =	vsub.f32 v20, v11;
	v8 =	vmul.f32 v8, v8;
	v29 =	vld.idx.msk [tilespmem:v15+s0+$0x0], $0xffff;
	v28 =	vpop (erf)  }
0xd2: {  	v12 =	vmul.f32 v12, v12;
	v21 =	vsub.f32 v21, v7;
	v15 =	vld.idx.msk [tilespmem:v15+s19+$0x0], $0xffff;
	v23 =	vmul.f32 v0, v28  }
0xd3: {  	v19 =	vmul.f32 v19, v19;
	v20 =	vmul.f32 v20, v20;
	v8 =	vadd.f32 v8, v18;
	v24 =	vld.idx.msk [tilespmem:v13+s30+$0x0], $0xffff  }
0xd4: {  	v18 =	vmul.f32 v28, v4;
	v26 =	vmul.f32 v3, v28;
	v25 =	vld.idx.msk [tilespmem:v13+s29+$0x0], $0xffff;
	v32 =	vsub.f32 $1.000000000e+00, v23  }
0xd5: {  	v21 =	vmul.f32 v21, v21;
	v20 =	vadd.f32 v20, v19;
	v33 =	vadd.f32 v12, v8;
	v23 =	vld.idx.msk [tilespmem:v17+s0+$0x0], $0xffff  }
.Ltmp0:
0xd6: {  	v19 =	vsub.f32 $1.000000000e+00, v18;
	v18 =	vsub.f32 $1.000000000e+00, v26;
	v8 =	vmul.f32 v1, v28;
	v26 =	vld.idx.msk [tilespmem:v17+s19+$0x0], $0xffff;
	(pc) =	sbr.rel @p0 .LBB2_2-.Ltmp0, $4  }
0xd7: {  	v12 =	vmul.f32 v2, v28;
	v34 =	vadd.f32 v21, v20;
	v17 =	vsub.f32 $0.0e+00, v33;
	v27 =	vld.idx.msk [tilespmem:v14+s30+$0x0], $0xffff  }
0xd8: {  	v20 =	vmax.f32 v32, $0.0e+00;
	v33 =	vsub.f32 v29, v9;
	v35 =	vsub.f32 v15, v6;
	v28 =	vld.idx.msk [tilespmem:v14+s29+$0x0], $0xffff  }
0xd9: {  	v30 =	vsub.f32 v30, v7;
	v21 =	vmax.f32 v18, $0.0e+00;
	v32 =	vsub.f32 v31, v5;
	v29 =	vld.idx.msk [tilespmem:v14+s31+$0x0], $0xffff;
	v15 =	vpop (erf)  }
0xda: {  	s4 =	sadd.s32 $0x40, s4;
	v18 =	vsub.f32 $0.0e+00, v34;
	v31 =	vmul.f32 v33, v33;
	v33 =	vmul.f32 v35, v35  }
0xdb: {  	_ =	sdelay $0x3  }
0xdc: {  	v34 =	vld.idx.msk [tilespmem:v13+s1+$0x0], $0xffff  }
0xdd: {  	v42 =	vld.idx.msk [tilespmem:v16+s31+$0x0], $0xffff  }
0xde: {  	v35 =	vld.idx.msk [tilespmem:v14+s1+$0x0], $0xffff  }
0xdf: {  	v24 =	vsub.f32 v24, v10;
	v22 =	vsub.f32 v22, v5;
	v32 =	vmul.f32 v32, v32;
	v36 =	vld.idx.msk [tilespmem:v13+s0+$0x0], $0xffff  }
0xe0: {  	v25 =	vsub.f32 v25, v11;
	v30 =	vmul.f32 v30, v30;
	v23 =	vsub.f32 v23, v9;
	v37 =	vld.idx.msk [tilespmem:v16+s30+$0x0], $0xffff  }
0xe1: {  	v26 =	vsub.f32 v26, v6;
	v43 =	vld.idx.msk [tilespmem:v16+s29+$0x0], $0xffff;
	v19 =	vmax.f32 v19, $0.0e+00;
	v20 =	vmul.f32 v20, v20  }
0xe2: {  	v45 =	vld.idx.msk [tilespmem:v16+s1+$0x0], $0xffff;
	v21 =	vmul.f32 v21, v21;
	v31 =	vadd.f32 v33, v31;
	v27 =	vsub.f32 v27, v10  }
0xe3: {  	v47 =	vld.idx.msk [tilespmem:v16+s0+$0x0], $0xffff;
	v24 =	vmul.f32 v24, v24;
	v28 =	vsub.f32 v28, v11;
	v25 =	vmul.f32 v25, v25  }
0xe4: {  	v49 =	vld.idx.msk [tilespmem:v16+s19+$0x0], $0xffff;
	v23 =	vmul.f32 v23, v23;
	v26 =	vmul.f32 v26, v26;
	v44 =	vadd.f32 v32, v31  }
0xe5: {  	v51 =	vld.idx.msk [tilespmem:v14+s0+$0x0], $0xffff;
	v17 =	vmul.f32 v17, v15;
	v29 =	vsub.f32 v29, v7;
	v24 =	vadd.f32 v25, v24  }
0xe6: {  	v53 =	vld.idx.msk [tilespmem:v14+s19+$0x0], $0xffff;
	v19 =	vmul.f32 v19, v19;
	v23 =	vadd.f32 v26, v23;
	v48 =	vsub.f32 $0.0e+00, v44  }
0xe7: {  	v55 =	vld.idx.msk [tilespmem:v13+s19+$0x0], $0xffff;
	v18 =	vmul.f32 v18, v15;
	v52 =	vsub.f32 v34, v5;
	v54 =	vsub.f32 v42, v7  }
0xe8: {  	v22 =	vmul.f32 v22, v22;
	v56 =	vsub.f32 v35, v5;
	v57 =	vsub.f32 v36, v9  }
0xe9: {  	v27 =	vmul.f32 v27, v27;
	v58 =	vsub.f32 v37, v10;
	v59 =	vsub.f32 v43, v11  }
0xea: {  	v28 =	vmul.f32 v28, v28;
	v60 =	vsub.f32 v47, v9;
	v16 =	vsub.f32 v49, v6  }
0xeb: {  	v46 =	vmul.f32 v29, v29;
	v61 =	vsub.f32 v45, v5;
	v62 =	vsub.f32 v51, v9  }
0xec: {  	v14 =	vsub.f32 v53, v6;
	v63 =	vsub.f32 v55, v6;
	v10 =	vmul.f32 v58, v58  }
0xed: {  	v27 =	vadd.f32 v28, v27;
	v25 =	vmul.f32 v60, v60;
	v16 =	vmul.f32 v16, v16  }
0xee: {  	v24 =	vadd.f32 v30, v24;
	v5 =	vmul.f32 v61, v61;
	v11 =	vmul.f32 v59, v59  }
0xef: {  	v22 =	vadd.f32 v22, v23;
	v9 =	vmul.f32 v62, v62;
	v14 =	vmul.f32 v14, v14  }
0xf0: {  	v29 =	vmul.f32 v57, v57;
	v50 =	vadd.f32 v46, v27;
	v24 =	vsub.f32 $0.0e+00, v24  }
0xf1: {  	v6 =	vmul.f32 v63, v63;
	v22 =	vsub.f32 $0.0e+00, v22;
	v27 =	vadd.f32 v16, v25  }
0xf2: {  	v7 =	vmul.f32 v54, v54;
	v10 =	vadd.f32 v11, v10;
	v9 =	vadd.f32 v14, v9  }
0xf3: {  	v31 =	vmul.f32 v56, v56;
	v6 =	vadd.f32 v6, v29;
	v5 =	vadd.f32 v5, v27  }
0xf4: {  	v32 =	vmul.f32 v52, v52;
	v26 =	vsub.f32 $0.0e+00, v50;
	v7 =	vadd.f32 v7, v10  }
0xf5: {  	v33 =	vmul.f32 $1.777777790e+00, v48;
	v9 =	vadd.f32 v31, v9;
	v5 =	vsub.f32 $0.0e+00, v5  }
0xf6: {  	v34 =	vmul.f32 v24, v15;
	v6 =	vadd.f32 v32, v6;
	v7 =	vsub.f32 $0.0e+00, v7  }
0xf7: {  	v35 =	vmul.f32 $1.777777790e+00, v22;
	v9 =	vsub.f32 $0.0e+00, v9;
	v5 =	vmul.f32 $1.777777790e+00, v5  }
0xf8: {  	v36 =	vmul.f32 v26, v15;
	v6 =	vsub.f32 $0.0e+00, v6;
	v7 =	vmul.f32 v7, v15  }
0xf9: {  	v9 =	vmul.f32 $1.777777790e+00, v9;
	v5 =	vmul.f32 $1.442695020e+00, v5  }
0xfa: {  	v6 =	vmul.f32 $1.777777790e+00, v6;
	v7 =	vmul.f32 $1.442695020e+00, v7  }
0xfb: {  	v9 =	vmul.f32 $1.442695020e+00, v9;
	(erf) = vpow2.f32 v5  }
0xfc: {  	v37 =	vmul.f32 $1.442695020e+00, v6;
	(erf) = vpow2.f32 v7  }
0xfd: {  	v38 =	vmul.f32 $1.442695020e+00, v36;
	(erf) = vpow2.f32 v9  }
0xfe: {  	v39 =	vmul.f32 $1.442695020e+00, v35;
	(erf) = vpow2.f32 v37  }
0xff: {  	v40 =	vmul.f32 $1.442695020e+00, v34;
	(erf) = vpow2.f32 v38  }
0x100: {  	v41 =	vmul.f32 $1.442695020e+00, v33;
	(erf) = vpow2.f32 v39  }
0x101: {  	v42 =	vsub.f32 $1.000000000e+00, v12;
	v43 =	vmul.f32 $1.442695020e+00, v18;
	(erf) = vpow2.f32 v40  }
0x102: {  	v8 =	vsub.f32 $1.000000000e+00, v8;
	v44 =	vmul.f32 v19, v19;
	(erf) = vpow2.f32 v41  }
0x103: {  	v45 =	vmax.f32 v42, $0.0e+00;
	v46 =	vmul.f32 $1.442695020e+00, v17;
	(erf) = vpow2.f32 v43  }
0x104: {  	v47 =	vmul.f32 v21, v21;
	v6 =	vmul.f32 v45, v45;
	v48 =	vpop (erf)  }
0x105: {  	v8 =	vmax.f32 v8, $0.0e+00;
	(erf) = vpow2.f32 v46;
	v5 =	vmul.f32 v48, v44;
	v49 =	vpop (erf)  }
0x106: {  	v50 =	vmul.f32 v8, v8;
	v6 =	vmul.f32 v6, v6;
	v51 =	vpop (erf)  }
0x107: {  	v5 =	vmul.f32 v49, v5;
	v8 =	vmul.f32 v51, v47;
	v52 =	vpop (erf)  }
0x108: {  	v7 =	vmul.f32 v50, v50;
	v6 =	vmul.f32 v52, v6;
	v53 =	vpop (erf)  }
0x109: {  	v4 =	vmul.f32 v5, v4;
	v54 =	vmul.f32 v53, v8;
	v55 =	vpop (erf)  }
0x10a: {  	v56 =	vmul.f32 v20, v20;
	v7 =	vmul.f32 v55, v7;
	v57 =	vpop (erf)  }
0x10b: {  	v4 =	vadd.f32 $0.0e+00, v4;
	v3 =	vmul.f32 v54, v3;
	v58 =	vmul.f32 v57, v6;
	v59 =	vpop (erf)  }
0x10c: {  	v6 =	vmul.f32 v59, v56;
	v60 =	vpop (erf)  }
0x10d: {  	v3 =	vadd.f32 v3, v4;
	v2 =	vmul.f32 v58, v2;
	v61 =	vmul.f32 v60, v7  }
0x10e: {  	v62 =	vpop (erf)  }
0x10f: {  	v63 =	vmul.f32 v62, v6;
	v2 =	vadd.f32 v2, v3;
	v1 =	vmul.f32 v61, v1;
	_ =	sdelay $0x1  }
0x110: {  	v0 =	vmul.f32 v63, v0;
	v1 =	vadd.f32 v1, v2;
	_ =	sdelay $0x1  }
0x111: {  	s2 =	sadd.s32 $0x1, s2;
	v0 =	vadd.f32 v0, v1  }
0x112: {  	p0 =	sne.s32 s2, s26  }
.Ltmp1:
0x113: {  	s5 =	simm.s32 $0x8000;
	[tilespmem:s3+$0x8000] =	vst v0;
	(pc) =	sbr.rel @p0 .LBB2_1-.Ltmp1, $4  }
0x114: {  	[hbm4b:s25+s0] =	stream.linear.scatter [tilespmem:s5], [sflag:$0x1], $0x200, $0x38;
	[tilespmem:$0x8200] =	vst v63  }
0x115: {  	_ =	swait.ge [sflag:s28], $0x200  }
0x116: {  	[sflag:s28] =	ssyncset.done $0x0  }
0x117: {  	[sflag:s28] =	ssyncadd.s32 $0xFFFFFE00  }
0x118: {  	_ =	sfence.sel $0x180000  }
0x119: {  	[bflag:$0x0] =	sbarrier.arrive $0xFFFF  }
0x11a: {  	_ =	strace $0x90000047  }
0x11b: {  	s0 =	stileid.u32;
	[bflag:$0x2] =	sbarrier.arrive $0xFFFF  }
0x11c: {  	p0 =	sne.s32 s0, $0x0;
	s0 =	rddreg [dreg:$0x1]  }
0x11d: {  	s0 =	sadd.s32 @!p0 $0x100000, s0  }
0x11e: {  	[sflag:s0] =	ssyncadd.tile.s32 @!p0 $0x1;
	_ =	shalt  }
.Lfunc_end2:
_tile_overlayer_lowered:
.L_overlay_start_2:
0x11f: {  	(tag) =	ssettag $0x2  }
0x120: {  	s0 =	rddreg [dreg:$0x0];
	s2 =	stileid.u32  }
0x121: {  	s1 =	rddreg [dreg:$0x1];
	p0 =	sne.s32 s2, $0x0  }
0x122: {  	s3 =	rddreg [dreg:$0x2];
	[bflag:$0x3] =	sbarrier.arrive $0xFFFF;
	s2 =	simm.s32 @!p0 $0x1C01  }
0x123: {  	[timem:s3], [sflag:s2] =	dma.local @!p0 [hbm:s0], s1  }
0x124: {  	s0 =	simm.s32 @!p0 $0x1  }
0x125: {  	_ =	swait.ge @!p0 [sflag:s0], s1  }
0x126: {  	s1 =	ssub.s32 @!p0 $0x0, s1;
	[sflag:s0] =	ssyncset.done @!p0 $0x0  }
0x127: {  	[sflag:s0] =	ssyncadd.s32 @!p0 s1  }
0x128: {  	[bflag:$0x3] =	sbarrier.arrive $0xFFFF  }
0x129: {  	_ =	shalt  }

</sc_bundles>
